<compile_context>
chip_gen: v7x
topology: tpu7x:2x2x1
jax: 0.10.2.dev20260603
libtpu: 0.0.44.dev20260713+nightly
codegen_flags: <defaults>
</compile_context>

<pallas_src>
import jax
import jax.numpy as jnp
from jax import lax
from jax.experimental import pallas as pl
from jax.experimental.pallas import tpu as pltpu
from jax.experimental.pallas import tpu_sc as plsc

N = 10000
E = 320000
D1 = 128
D2 = 64

NC = 2
NS = 16
NW = NC * NS
BLK = 128
NBLK = 79
E_PAD = NW * NBLK * BLK
ACC = 10240
RPT = ACC // NS
CROWS = ACC // 128
BM = 1024


def _mesh():
    return plsc.VectorSubcoreMesh(
        core_axis_name="c", subcore_axis_name="s", num_cores=NC, num_subcores=NS
    )


def _make_agg(with_counts):
    out_type = [jax.ShapeDtypeStruct((NC, ACC, D1), jnp.float32)]
    scratch = [
        pltpu.VMEM((2, BLK), jnp.int32),
        pltpu.VMEM((BLK, D1), jnp.float32),
        pltpu.VMEM_SHARED((ACC, D1), jnp.float32),
        pltpu.SemaphoreType.DMA,
    ]
    if with_counts:
        out_type.append(jax.ShapeDtypeStruct((NC, CROWS, 128), jnp.float32))
        scratch += [
            pltpu.VMEM((CROWS, 128), jnp.float32),
            pltpu.VMEM_SHARED((CROWS, 128), jnp.float32),
            pltpu.VMEM((CROWS,), jnp.int32),
        ]

    def body(*refs):
        if with_counts:
            (tab, eidx, zacc, zcnt, iden,
             p_out, c_out, eb, rows, acc_sh, sem, cnt_v, cnt_sh, id_v) = refs
        else:
            (tab, eidx, zacc,
             p_out, eb, rows, acc_sh, sem) = refs
        c = lax.axis_index("c")
        s = lax.axis_index("s")
        r0 = s * RPT
        pltpu.sync_copy(zacc.at[pl.ds(r0, RPT)], acc_sh.at[pl.ds(r0, RPT)])
        if with_counts:
            @pl.when(s < CROWS // 8)
            def _():
                pltpu.sync_copy(zcnt.at[pl.ds(s * 8, 8)],
                                cnt_sh.at[pl.ds(s * 8, 8)])
            pltpu.sync_copy(zcnt, cnt_v)
            pltpu.sync_copy(iden, id_v)
        plsc.subcore_barrier()
        w = c * NS + s
        ones16 = jnp.full((16,), 1.0, jnp.float32)

        def step(b, carry):
            pltpu.sync_copy(eidx.at[w, b], eb)
            gather = pltpu.async_copy(tab.at[eb.at[0]], rows, sem)
            if with_counts:
                for j in range(BLK // 16):
                    iv = eb[1, pl.ds(j * 16, 16)]
                    plsc.addupdate_scatter(
                        cnt_v,
                        [jnp.right_shift(iv, 7), jnp.bitwise_and(iv, 127)],
                        ones16,
                    )
            gather.wait()
            pltpu.sync_copy(rows, acc_sh.at[eb.at[1]], add=True)
            return carry

        lax.fori_loop(0, NBLK, step, 0)
        if with_counts:
            pltpu.sync_copy(cnt_v, cnt_sh.at[id_v], add=True)
        plsc.subcore_barrier()
        pltpu.sync_copy(acc_sh.at[pl.ds(r0, RPT)], p_out.at[c, pl.ds(r0, RPT)])
        if with_counts:
            @pl.when(s < CROWS // 8)
            def _():
                pltpu.sync_copy(cnt_sh.at[pl.ds(s * 8, 8)],
                                c_out.at[c, pl.ds(s * 8, 8)])

    params = pltpu.CompilerParams(needs_layout_passes=False) if with_counts else None
    return pl.kernel(
        body,
        out_type=tuple(out_type) if with_counts else out_type[0],
        mesh=_mesh(),
        compiler_params=params,
        scratch_types=scratch,
    )


def _tc1(p0, p1, c0, c1, xp, w1lT, b1, w1rT):
    nb = ACC // BM

    def body(p0r, p1r, c0r, c1r, xr, w1lr, b1r, w1rr, h_out):
        cnt = jnp.maximum(c0r[...] + c1r[...], 1.0)
        mean = (p0r[...] + p1r[...]) / cnt
        h = (
            jnp.dot(mean, w1lr[...], precision=lax.Precision.HIGHEST)
            + b1r[...]
            + jnp.dot(xr[...], w1rr[...], precision=lax.Precision.HIGHEST)
        )
        h_out[...] = jnp.maximum(h, 0.0)

    row = lambda i: (i, 0)
    fixed = lambda i: (0, 0)
    return pl.pallas_call(
        body,
        grid=(nb,),
        in_specs=[
            pl.BlockSpec((BM, D1), row),
            pl.BlockSpec((BM, D1), row),
            pl.BlockSpec((BM, 1), row),
            pl.BlockSpec((BM, 1), row),
            pl.BlockSpec((BM, D1), row),
            pl.BlockSpec((D1, D1), fixed),
            pl.BlockSpec((1, D1), fixed),
            pl.BlockSpec((D1, D1), fixed),
        ],
        out_specs=pl.BlockSpec((BM, D1), row),
        out_shape=jax.ShapeDtypeStruct((ACC, D1), jnp.float32),
    )(p0, p1, c0, c1, xp, w1lT, b1, w1rT)


def _tc2a(h, w2rT, b2):
    nb = ACC // BM

    def body(hr, w2rr, b2r, out):
        out[...] = b2r[...] + jnp.dot(
            hr[...], w2rr[...], precision=lax.Precision.HIGHEST)

    row = lambda i: (i, 0)
    fixed = lambda i: (0, 0)
    return pl.pallas_call(
        body,
        grid=(nb,),
        in_specs=[
            pl.BlockSpec((BM, D1), row),
            pl.BlockSpec((D1, D2), fixed),
            pl.BlockSpec((1, D2), fixed),
        ],
        out_specs=pl.BlockSpec((BM, D2), row),
        out_shape=jax.ShapeDtypeStruct((ACC, D2), jnp.float32),
    )(h, w2rT, b2)


def _tc2(q0, q1, c0, c1, r2, w2lT):
    nb = ACC // BM

    def body(q0r, q1r, c0r, c1r, r2r, w2lr, out):
        cnt = jnp.maximum(c0r[...] + c1r[...], 1.0)
        mean2 = (q0r[...] + q1r[...]) / cnt
        z = (
            jnp.dot(mean2, w2lr[...], precision=lax.Precision.HIGHEST)
            + r2r[...]
        )
        m = jnp.max(z, axis=1, keepdims=True)
        e = z - m
        out[...] = e - jnp.log(jnp.sum(jnp.exp(e), axis=1, keepdims=True))

    row = lambda i: (i, 0)
    fixed = lambda i: (0, 0)
    return pl.pallas_call(
        body,
        grid=(nb,),
        in_specs=[
            pl.BlockSpec((BM, D1), row),
            pl.BlockSpec((BM, D1), row),
            pl.BlockSpec((BM, 1), row),
            pl.BlockSpec((BM, 1), row),
            pl.BlockSpec((BM, D2), row),
            pl.BlockSpec((D1, D2), fixed),
        ],
        out_specs=pl.BlockSpec((BM, D2), row),
        out_shape=jax.ShapeDtypeStruct((ACC, D2), jnp.float32),
    )(q0, q1, c0, c1, r2, w2lT)


def kernel(x, edge_index, W1l, b1l, W1r, W2l, b2l, W2r):
    src = edge_index[0].astype(jnp.int32)
    dst = edge_index[1].astype(jnp.int32)
    pad = E_PAD - E
    src_p = jnp.concatenate([src, jnp.zeros((pad,), jnp.int32)])
    dummy = N + (jnp.arange(pad, dtype=jnp.int32) % (ACC - N))
    dst_p = jnp.concatenate([dst, dummy])
    eidx = jnp.stack(
        [src_p.reshape(NW, NBLK, BLK), dst_p.reshape(NW, NBLK, BLK)], axis=2)

    zacc = jnp.zeros((ACC, D1), jnp.float32)
    zcnt = jnp.zeros((CROWS, 128), jnp.float32)
    iden = jnp.arange(CROWS, dtype=jnp.int32)
    P, C = _make_agg(True)(x, eidx, zacc, zcnt, iden)
    c0 = C[0].reshape(ACC, 1)
    c1 = C[1].reshape(ACC, 1)

    xp = jnp.concatenate([x, jnp.zeros((ACC - N, D1), jnp.float32)])
    h = _tc1(P[0], P[1], c0, c1, xp, W1l.T, b1l[None, :], W1r.T)

    r2 = _tc2a(h, W2r.T, b2l[None, :])
    Q = _make_agg(False)(h, eidx, zacc)

    out = _tc2(Q[0], Q[1], c0, c1, r2, W2l.T)
    return out[:N]

# --- scband reference (transcript-rebuilt; emitter-appended) ---
"""Pipeline reference for scband-sage-42322607735200 (READ-ONLY COPY).

The authoritative reference and input builder live on the scoring server;
editing this copy changes nothing except your own understanding.
"""

import jax, jax.numpy as jnp
import numpy as np

N_NODES = 10000
N_EDGES = 320000
D_FEAT = 128
D_HID = 128
D_OUT = 64


def setup_inputs(seed: int = 0) -> dict:
    key = jax.random.key(seed)
    ks = jax.random.split(key, 8)
    x = jax.random.normal(ks[0], (N_NODES, D_FEAT), dtype=jnp.float32)
    edge_index = jax.random.randint(ks[1], (2, N_EDGES), 0, N_NODES, dtype=jnp.int64)
    # SAGEConv params: lin_l (applied to aggregated neighbors, with bias), lin_r (applied to root, no bias)
    W1l = jax.random.normal(ks[2], (D_HID, D_FEAT), dtype=jnp.float32) * (1.0 / np.sqrt(D_FEAT))
    b1l = jnp.zeros((D_HID,), dtype=jnp.float32)
    W1r = jax.random.normal(ks[3], (D_HID, D_FEAT), dtype=jnp.float32) * (1.0 / np.sqrt(D_FEAT))
    W2l = jax.random.normal(ks[4], (D_OUT, D_HID), dtype=jnp.float32) * (1.0 / np.sqrt(D_HID))
    b2l = jnp.zeros((D_OUT,), dtype=jnp.float32)
    W2r = jax.random.normal(ks[5], (D_OUT, D_HID), dtype=jnp.float32) * (1.0 / np.sqrt(D_HID))
    return {"x": x, "edge_index": edge_index, "W1l": W1l, "b1l": b1l, "W1r": W1r,
            "W2l": W2l, "b2l": b2l, "W2r": W2r}


def _sage_conv(x, src, dst, Wl, bl, Wr, num_nodes):
    # message = x_j (source node features); aggregate = mean over incoming edges at dst
    msg = jnp.take(x, src, axis=0)
    agg = jax.ops.segment_sum(msg, dst, num_segments=num_nodes)
    cnt = jax.ops.segment_sum(jnp.ones((src.shape[0],), dtype=x.dtype), dst, num_segments=num_nodes)
    mean = agg / jnp.maximum(cnt, 1.0)[:, None]
    return mean @ Wl.T + bl + x @ Wr.T


def reference(x, edge_index, W1l, b1l, W1r, W2l, b2l, W2r):
    src = edge_index[0]
    dst = edge_index[1]
    h = _sage_conv(x, src, dst, W1l, b1l, W1r, N_NODES)
    h = jax.nn.relu(h)
    # F.dropout(training=False) in eval mode is identity
    h = _sage_conv(h, src, dst, W2l, b2l, W2r, N_NODES)
    return jax.nn.log_softmax(h, axis=1)

if __name__ == "__main__":
    import jax
    _d = setup_inputs()
    print(jax.jit(kernel)(*tuple(_d.values())))

</pallas_src>

<mosaic_0001>
#map = affine_map<(d0, d1) -> (0, 0)>
#map1 = affine_map<(d0, d1) -> (0, 0, 0, 0)>
#map2 = affine_map<(d0, d1) -> (0, 0, 0)>
module attributes {stable_mosaic.version = 14 : i64} {
  func.func @body(%arg0: i32, %arg1: i32, %arg2: memref<10240x128xf32, #tpu.memory_space<hbm>>, %arg3: memref<32x79x2x128xi32, #tpu.memory_space<hbm>>, %arg4: memref<10240x128xf32, #tpu.memory_space<hbm>>, %arg5: memref<2x10240x128xf32, #tpu.memory_space<hbm>>, %arg6: memref<2x128xi32, #tpu.memory_space<vmem>>, %arg7: memref<128x128xf32, #tpu.memory_space<vmem>>, %arg8: memref<10240x128xf32, #tpu.memory_space<vmem_shared>>, %arg9: memref<!tpu.dma_semaphore, #tpu.memory_space<semaphore_mem>>) attributes {dimension_semantics = [#tpu.dimension_semantics<core_parallel>, #tpu.dimension_semantics<subcore_parallel>], iteration_bounds = array<i64: 2, 16>, scalar_prefetch = 0 : i64, scratch_operands = 4 : i64, tpu.core_type = #tpu.core_type<sc_vector_subcore>, window_params = [{transform_indices = #map}, {transform_indices = #map1}, {transform_indices = #map}, {transform_indices = #map2}]} {
    %mul3A = arith.constant 640 : i32
    %mul3A_0 = arith.muli %arg1, %mul3A : i32
    "tpu.region"() ({
      %run_scoped3A = tpu.sem_alloc : memref<!tpu.dma_semaphore, #tpu.memory_space<semaphore_mem>>
      %dma_start3A = arith.constant 0 : i32
      %dma_start3A_10 = tpu.memref_slice %arg8[%mul3A_0, %dma_start3A] : memref<10240x128xf32, #tpu.memory_space<vmem_shared>> -> memref<640x128xf32, #tpu.memory_space<vmem_shared>>
      %dma_start3A_11 = arith.constant 0 : i32
      %dma_start3A_12 = tpu.memref_slice %arg4[%mul3A_0, %dma_start3A_11] : memref<10240x128xf32, #tpu.memory_space<hbm>> -> memref<640x128xf32, #tpu.memory_space<hbm>>
      tpu.enqueue_dma source(%dma_start3A_12 : memref<640x128xf32, #tpu.memory_space<hbm>>) target(%dma_start3A_10 : memref<640x128xf32, #tpu.memory_space<vmem_shared>>) target_semaphore(%run_scoped3A : memref<!tpu.dma_semaphore, #tpu.memory_space<semaphore_mem>>)
      %dma_wait3A = arith.constant 0 : i32
      %dma_wait3A_13 = tpu.memref_slice %arg8[%mul3A_0, %dma_wait3A] : memref<10240x128xf32, #tpu.memory_space<vmem_shared>> -> memref<640x128xf32, #tpu.memory_space<vmem_shared>>
      %dma_wait3A_14 = arith.constant 0 : i32
      %dma_wait3A_15 = tpu.memref_slice %arg4[%mul3A_0, %dma_wait3A_14] : memref<10240x128xf32, #tpu.memory_space<hbm>> -> memref<640x128xf32, #tpu.memory_space<hbm>>
      tpu.wait_dma2 semaphore(%run_scoped3A : memref<!tpu.dma_semaphore, #tpu.memory_space<semaphore_mem>>) src(%dma_wait3A_15 : memref<640x128xf32, #tpu.memory_space<hbm>>) dst(%dma_wait3A_13 : memref<640x128xf32, #tpu.memory_space<vmem_shared>>)
      tpu.yield
    }) : () -> ()
    %barrier3A = arith.constant 0 : index
    tpu.barrier barrier_id(%barrier3A)
    %mul3A_1 = arith.constant 16 : i32
    %mul3A_2 = arith.muli %arg0, %mul3A_1 : i32
    %add3A = arith.addi %mul3A_2, %arg1 : i32
    %broadcast_in_dim3A = arith.constant 1.000000e+00 : f32
    %broadcast_in_dim3A_3 = vector.broadcast %broadcast_in_dim3A : f32 to vector<16xf32>
    %scan3A = arith.constant 0 : i32
    %scan3A_4 = arith.constant 0 : i32
    %scan3A_5 = arith.constant 79 : i32
    %scan3A_6 = arith.addi %scan3A_4, %scan3A_5 : i32
    %scan3A_7 = arith.constant 1 : i32
    scf.for %scan3A_10 = %scan3A_4 to %scan3A_6 step %scan3A_7  : i32 {
      "tpu.region"() ({
        %run_scoped3A_23 = tpu.sem_alloc : memref<!tpu.dma_semaphore, #tpu.memory_space<semaphore_mem>>
        %dma_start3A_24 = arith.constant 0 : i32
        %dma_start3A_25 = arith.constant 0 : i32
        %dma_start3A_26 = tpu.memref_slice %arg3[%add3A, %scan3A_10, %dma_start3A_24, %dma_start3A_25] : memref<32x79x2x128xi32, #tpu.memory_space<hbm>> -> memref<1x1x2x128xi32, #tpu.memory_space<hbm>>
        %dma_start3A_27 = tpu.memref_squeeze %dma_start3A_26 : memref<1x1x2x128xi32, #tpu.memory_space<hbm>> -> memref<2x128xi32, #tpu.memory_space<hbm>>
        %dma_start3A_28 = arith.constant 0 : i32
        %dma_start3A_29 = arith.constant 0 : i32
        %dma_start3A_30 = tpu.memref_slice %arg3[%add3A, %scan3A_10, %dma_start3A_28, %dma_start3A_29] : memref<32x79x2x128xi32, #tpu.memory_space<hbm>> -> memref<1x1x2x128xi32, #tpu.memory_space<hbm>>
        %dma_start3A_31 = tpu.memref_squeeze %dma_start3A_30 : memref<1x1x2x128xi32, #tpu.memory_space<hbm>> -> memref<2x128xi32, #tpu.memory_space<hbm>>
        tpu.enqueue_dma source(%dma_start3A_31 : memref<2x128xi32, #tpu.memory_space<hbm>>) target(%arg6 : memref<2x128xi32, #tpu.memory_space<vmem>>) target_semaphore(%run_scoped3A_23 : memref<!tpu.dma_semaphore, #tpu.memory_space<semaphore_mem>>)
        %dma_wait3A_32 = arith.constant 0 : i32
        %dma_wait3A_33 = arith.constant 0 : i32
        %dma_wait3A_34 = tpu.memref_slice %arg3[%add3A, %scan3A_10, %dma_wait3A_32, %dma_wait3A_33] : memref<32x79x2x128xi32, #tpu.memory_space<hbm>> -> memref<1x1x2x128xi32, #tpu.memory_space<hbm>>
        %dma_wait3A_35 = tpu.memref_squeeze %dma_wait3A_34 : memref<1x1x2x128xi32, #tpu.memory_space<hbm>> -> memref<2x128xi32, #tpu.memory_space<hbm>>
        %dma_wait3A_36 = arith.constant 0 : i32
        %dma_wait3A_37 = arith.constant 0 : i32
        %dma_wait3A_38 = tpu.memref_slice %arg3[%add3A, %scan3A_10, %dma_wait3A_36, %dma_wait3A_37] : memref<32x79x2x128xi32, #tpu.memory_space<hbm>> -> memref<1x1x2x128xi32, #tpu.memory_space<hbm>>
        %dma_wait3A_39 = tpu.memref_squeeze %dma_wait3A_38 : memref<1x1x2x128xi32, #tpu.memory_space<hbm>> -> memref<2x128xi32, #tpu.memory_space<hbm>>
        tpu.wait_dma2 semaphore(%run_scoped3A_23 : memref<!tpu.dma_semaphore, #tpu.memory_space<semaphore_mem>>) src(%dma_wait3A_39 : memref<2x128xi32, #tpu.memory_space<hbm>>) dst(%arg6 : memref<2x128xi32, #tpu.memory_space<vmem>>)
        tpu.yield
      }) : () -> ()
      %dma_start3A = arith.constant 0 : i32
      %dma_start3A_11 = arith.constant 0 : i32
      %dma_start3A_12 = tpu.memref_slice %arg6[%dma_start3A, %dma_start3A_11] : memref<2x128xi32, #tpu.memory_space<vmem>> -> memref<1x128xi32, #tpu.memory_space<vmem>>
      %dma_start3A_13 = tpu.memref_squeeze %dma_start3A_12 : memref<1x128xi32, #tpu.memory_space<vmem>> -> memref<128xi32, #tpu.memory_space<vmem>>
      %dma_start3A_14 = arith.constant 0 : i32
      %dma_start3A_15 = arith.constant 0 : i32
      %dma_start3A_16 = tpu.memref_slice %arg2[%dma_start3A_14, %dma_start3A_15] : memref<10240x128xf32, #tpu.memory_space<hbm>> -> memref<10240x128xf32, #tpu.memory_space<hbm>>
      tpu.enqueue_indirect_dma source(%dma_start3A_16 : memref<10240x128xf32, #tpu.memory_space<hbm>>) target(%arg7 : memref<128x128xf32, #tpu.memory_space<vmem>>) offsets(%dma_start3A_13 : memref<128xi32, #tpu.memory_space<vmem>>) semaphore(%arg9 : memref<!tpu.dma_semaphore, #tpu.memory_space<semaphore_mem>>)
      %dma_wait3A = arith.constant 0 : i32
      %dma_wait3A_17 = arith.constant 0 : i32
      %dma_wait3A_18 = tpu.memref_slice %arg6[%dma_wait3A, %dma_wait3A_17] : memref<2x128xi32, #tpu.memory_space<vmem>> -> memref<1x128xi32, #tpu.memory_space<vmem>>
      %dma_wait3A_19 = tpu.memref_squeeze %dma_wait3A_18 : memref<1x128xi32, #tpu.memory_space<vmem>> -> memref<128xi32, #tpu.memory_space<vmem>>
      %dma_wait3A_20 = arith.constant 0 : i32
      %dma_wait3A_21 = arith.constant 0 : i32
      %dma_wait3A_22 = tpu.memref_slice %arg2[%dma_wait3A_20, %dma_wait3A_21] : memref<10240x128xf32, #tpu.memory_space<hbm>> -> memref<10240x128xf32, #tpu.memory_space<hbm>>
      tpu.wait_indirect_dma semaphore(%arg9 : memref<!tpu.dma_semaphore, #tpu.memory_space<semaphore_mem>>) src(%dma_wait3A_22 : memref<10240x128xf32, #tpu.memory_space<hbm>>) dst(%arg7 : memref<128x128xf32, #tpu.memory_space<vmem>>)
      %run_scoped3A = arith.constant 1 : i32
      "tpu.region"() ({
        %run_scoped3A_23 = tpu.sem_alloc : memref<!tpu.dma_semaphore, #tpu.memory_space<semaphore_mem>>
        %dma_start3A_24 = arith.constant 0 : i32
        %dma_start3A_25 = tpu.memref_slice %arg6[%run_scoped3A, %dma_start3A_24] : memref<2x128xi32, #tpu.memory_space<vmem>> -> memref<1x128xi32, #tpu.memory_space<vmem>>
        %dma_start3A_26 = tpu.memref_squeeze %dma_start3A_25 : memref<1x128xi32, #tpu.memory_space<vmem>> -> memref<128xi32, #tpu.memory_space<vmem>>
        %dma_start3A_27 = arith.constant 0 : i32
        %dma_start3A_28 = arith.constant 0 : i32
        %dma_start3A_29 = tpu.memref_slice %arg8[%dma_start3A_27, %dma_start3A_28] : memref<10240x128xf32, #tpu.memory_space<vmem_shared>> -> memref<10240x128xf32, #tpu.memory_space<vmem_shared>>
        tpu.enqueue_indirect_dma source(%arg7 : memref<128x128xf32, #tpu.memory_space<vmem>>) target(%dma_start3A_29 : memref<10240x128xf32, #tpu.memory_space<vmem_shared>>) offsets(%dma_start3A_26 : memref<128xi32, #tpu.memory_space<vmem>>) semaphore(%run_scoped3A_23 : memref<!tpu.dma_semaphore, #tpu.memory_space<semaphore_mem>>) {add = true}
        %dma_wait3A_30 = arith.constant 0 : i32
        %dma_wait3A_31 = tpu.memref_slice %arg6[%run_scoped3A, %dma_wait3A_30] : memref<2x128xi32, #tpu.memory_space<vmem>> -> memref<1x128xi32, #tpu.memory_space<vmem>>
        %dma_wait3A_32 = tpu.memref_squeeze %dma_wait3A_31 : memref<1x128xi32, #tpu.memory_space<vmem>> -> memref<128xi32, #tpu.memory_space<vmem>>
        %dma_wait3A_33 = arith.constant 0 : i32
        %dma_wait3A_34 = arith.constant 0 : i32
        %dma_wait3A_35 = tpu.memref_slice %arg8[%dma_wait3A_33, %dma_wait3A_34] : memref<10240x128xf32, #tpu.memory_space<vmem_shared>> -> memref<10240x128xf32, #tpu.memory_space<vmem_shared>>
        tpu.wait_indirect_dma semaphore(%run_scoped3A_23 : memref<!tpu.dma_semaphore, #tpu.memory_space<semaphore_mem>>) src(%arg7 : memref<128x128xf32, #tpu.memory_space<vmem>>) dst(%dma_wait3A_35 : memref<10240x128xf32, #tpu.memory_space<vmem_shared>>)
        tpu.yield
      }) : () -> ()
    }
    %scan3A_8 = arith.constant 79 : i32
    %barrier3A_9 = arith.constant 0 : index
    tpu.barrier barrier_id(%barrier3A_9)
    "tpu.region"() ({
      %run_scoped3A = tpu.sem_alloc : memref<!tpu.dma_semaphore, #tpu.memory_space<semaphore_mem>>
      %dma_start3A = arith.constant 0 : i32
      %dma_start3A_10 = tpu.memref_slice %arg5[%arg0, %mul3A_0, %dma_start3A] : memref<2x10240x128xf32, #tpu.memory_space<hbm>> -> memref<1x640x128xf32, #tpu.memory_space<hbm>>
      %dma_start3A_11 = tpu.memref_squeeze %dma_start3A_10 : memref<1x640x128xf32, #tpu.memory_space<hbm>> -> memref<640x128xf32, #tpu.memory_space<hbm>>
      %dma_start3A_12 = arith.constant 0 : i32
      %dma_start3A_13 = tpu.memref_slice %arg8[%mul3A_0, %dma_start3A_12] : memref<10240x128xf32, #tpu.memory_space<vmem_shared>> -> memref<640x128xf32, #tpu.memory_space<vmem_shared>>
      tpu.enqueue_dma source(%dma_start3A_13 : memref<640x128xf32, #tpu.memory_space<vmem_shared>>) target(%dma_start3A_11 : memref<640x128xf32, #tpu.memory_space<hbm>>) target_semaphore(%run_scoped3A : memref<!tpu.dma_semaphore, #tpu.memory_space<semaphore_mem>>)
      %dma_wait3A = arith.constant 0 : i32
      %dma_wait3A_14 = tpu.memref_slice %arg5[%arg0, %mul3A_0, %dma_wait3A] : memref<2x10240x128xf32, #tpu.memory_space<hbm>> -> memref<1x640x128xf32, #tpu.memory_space<hbm>>
      %dma_wait3A_15 = tpu.memref_squeeze %dma_wait3A_14 : memref<1x640x128xf32, #tpu.memory_space<hbm>> -> memref<640x128xf32, #tpu.memory_space<hbm>>
      %dma_wait3A_16 = arith.constant 0 : i32
      %dma_wait3A_17 = tpu.memref_slice %arg8[%mul3A_0, %dma_wait3A_16] : memref<10240x128xf32, #tpu.memory_space<vmem_shared>> -> memref<640x128xf32, #tpu.memory_space<vmem_shared>>
      tpu.wait_dma2 semaphore(%run_scoped3A : memref<!tpu.dma_semaphore, #tpu.memory_space<semaphore_mem>>) src(%dma_wait3A_17 : memref<640x128xf32, #tpu.memory_space<vmem_shared>>) dst(%dma_wait3A_15 : memref<640x128xf32, #tpu.memory_space<hbm>>)
      tpu.yield
    }) : () -> ()
    return
  }
}

#map = affine_map<(d0, d1) -> (0, 0)>
#map1 = affine_map<(d0, d1) -> (0, 0, 0, 0)>
#map2 = affine_map<(d0, d1) -> (0)>
#map3 = affine_map<(d0, d1) -> (0, 0, 0)>
module attributes {stable_mosaic.version = 14 : i64} {
  func.func @body(%arg0: i32, %arg1: i32, %arg2: memref<10000x128xf32, #tpu.memory_space<hbm>>, %arg3: memref<32x79x2x128xi32, #tpu.memory_space<hbm>>, %arg4: memref<10240x128xf32, #tpu.memory_space<hbm>>, %arg5: memref<80x128xf32, #tpu.memory_space<hbm>>, %arg6: memref<80xi32, #tpu.memory_space<hbm>>, %arg7: memref<2x10240x128xf32, #tpu.memory_space<hbm>>, %arg8: memref<2x80x128xf32, #tpu.memory_space<hbm>>, %arg9: memref<2x128xi32, #tpu.memory_space<vmem>>, %arg10: memref<128x128xf32, #tpu.memory_space<vmem>>, %arg11: memref<10240x128xf32, #tpu.memory_space<vmem_shared>>, %arg12: memref<!tpu.dma_semaphore, #tpu.memory_space<semaphore_mem>>, %arg13: memref<80x128xf32, #tpu.memory_space<vmem>>, %arg14: memref<80x128xf32, #tpu.memory_space<vmem_shared>>, %arg15: memref<80xi32, #tpu.memory_space<vmem>>) attributes {dimension_semantics = [#tpu.dimension_semantics<core_parallel>, #tpu.dimension_semantics<subcore_parallel>], iteration_bounds = array<i64: 2, 16>, scalar_prefetch = 0 : i64, scratch_operands = 7 : i64, tpu.core_type = #tpu.core_type<sc_vector_subcore>, window_params = [{transform_indices = #map}, {transform_indices = #map1}, {transform_indices = #map}, {transform_indices = #map}, {transform_indices = #map2}, {transform_indices = #map3}, {transform_indices = #map3}]} {
    %mul3A = arith.constant 640 : i32
    %mul3A_0 = arith.muli %arg1, %mul3A : i32
    "tpu.region"() ({
      %run_scoped3A = tpu.sem_alloc : memref<!tpu.dma_semaphore, #tpu.memory_space<semaphore_mem>>
      %dma_start3A = arith.constant 0 : i32
      %dma_start3A_17 = tpu.memref_slice %arg11[%mul3A_0, %dma_start3A] : memref<10240x128xf32, #tpu.memory_space<vmem_shared>> -> memref<640x128xf32, #tpu.memory_space<vmem_shared>>
      %dma_start3A_18 = arith.constant 0 : i32
      %dma_start3A_19 = tpu.memref_slice %arg4[%mul3A_0, %dma_start3A_18] : memref<10240x128xf32, #tpu.memory_space<hbm>> -> memref<640x128xf32, #tpu.memory_space<hbm>>
      tpu.enqueue_dma source(%dma_start3A_19 : memref<640x128xf32, #tpu.memory_space<hbm>>) target(%dma_start3A_17 : memref<640x128xf32, #tpu.memory_space<vmem_shared>>) target_semaphore(%run_scoped3A : memref<!tpu.dma_semaphore, #tpu.memory_space<semaphore_mem>>)
      %dma_wait3A = arith.constant 0 : i32
      %dma_wait3A_20 = tpu.memref_slice %arg11[%mul3A_0, %dma_wait3A] : memref<10240x128xf32, #tpu.memory_space<vmem_shared>> -> memref<640x128xf32, #tpu.memory_space<vmem_shared>>
      %dma_wait3A_21 = arith.constant 0 : i32
      %dma_wait3A_22 = tpu.memref_slice %arg4[%mul3A_0, %dma_wait3A_21] : memref<10240x128xf32, #tpu.memory_space<hbm>> -> memref<640x128xf32, #tpu.memory_space<hbm>>
      tpu.wait_dma2 semaphore(%run_scoped3A : memref<!tpu.dma_semaphore, #tpu.memory_space<semaphore_mem>>) src(%dma_wait3A_22 : memref<640x128xf32, #tpu.memory_space<hbm>>) dst(%dma_wait3A_20 : memref<640x128xf32, #tpu.memory_space<vmem_shared>>)
      tpu.yield
    }) : () -> ()
    %lt3A = arith.constant 10 : i32
    %lt3A_1 = arith.cmpi slt, %arg1, %lt3A : i32
    %convert_element_type3A = arith.extui %lt3A_1 : i1 to i32
    %cond3A = arith.constant 0 : i32
    %cond3A_2 = arith.cmpi ne, %convert_element_type3A, %cond3A : i32
    scf.if %cond3A_2 {
      %mul3A_17 = arith.constant 8 : i32
      %mul3A_18 = arith.muli %arg1, %mul3A_17 : i32
      %mul3A_19 = arith.constant 8 : i32
      %mul3A_20 = arith.muli %arg1, %mul3A_19 : i32
      "tpu.region"() ({
        %run_scoped3A = tpu.sem_alloc : memref<!tpu.dma_semaphore, #tpu.memory_space<semaphore_mem>>
        %dma_start3A = arith.constant 0 : i32
        %dma_start3A_21 = tpu.memref_slice %arg14[%mul3A_20, %dma_start3A] : memref<80x128xf32, #tpu.memory_space<vmem_shared>> -> memref<8x128xf32, #tpu.memory_space<vmem_shared>>
        %dma_start3A_22 = arith.constant 0 : i32
        %dma_start3A_23 = tpu.memref_slice %arg5[%mul3A_18, %dma_start3A_22] : memref<80x128xf32, #tpu.memory_space<hbm>> -> memref<8x128xf32, #tpu.memory_space<hbm>>
        tpu.enqueue_dma source(%dma_start3A_23 : memref<8x128xf32, #tpu.memory_space<hbm>>) target(%dma_start3A_21 : memref<8x128xf32, #tpu.memory_space<vmem_shared>>) target_semaphore(%run_scoped3A : memref<!tpu.dma_semaphore, #tpu.memory_space<semaphore_mem>>)
        %dma_wait3A = arith.constant 0 : i32
        %dma_wait3A_24 = tpu.memref_slice %arg14[%mul3A_20, %dma_wait3A] : memref<80x128xf32, #tpu.memory_space<vmem_shared>> -> memref<8x128xf32, #tpu.memory_space<vmem_shared>>
        %dma_wait3A_25 = arith.constant 0 : i32
        %dma_wait3A_26 = tpu.memref_slice %arg5[%mul3A_18, %dma_wait3A_25] : memref<80x128xf32, #tpu.memory_space<hbm>> -> memref<8x128xf32, #tpu.memory_space<hbm>>
        tpu.wait_dma2 semaphore(%run_scoped3A : memref<!tpu.dma_semaphore, #tpu.memory_space<semaphore_mem>>) src(%dma_wait3A_26 : memref<8x128xf32, #tpu.memory_space<hbm>>) dst(%dma_wait3A_24 : memref<8x128xf32, #tpu.memory_space<vmem_shared>>)
        tpu.yield
      }) : () -> ()
    } else {
    }
    "tpu.region"() ({
      %run_scoped3A = tpu.sem_alloc : memref<!tpu.dma_semaphore, #tpu.memory_space<semaphore_mem>>
      tpu.enqueue_dma source(%arg5 : memref<80x128xf32, #tpu.memory_space<hbm>>) target(%arg13 : memref<80x128xf32, #tpu.memory_space<vmem>>) target_semaphore(%run_scoped3A : memref<!tpu.dma_semaphore, #tpu.memory_space<semaphore_mem>>)
      tpu.wait_dma2 semaphore(%run_scoped3A : memref<!tpu.dma_semaphore, #tpu.memory_space<semaphore_mem>>) src(%arg5 : memref<80x128xf32, #tpu.memory_space<hbm>>) dst(%arg13 : memref<80x128xf32, #tpu.memory_space<vmem>>)
      tpu.yield
    }) : () -> ()
    "tpu.region"() ({
      %run_scoped3A = tpu.sem_alloc : memref<!tpu.dma_semaphore, #tpu.memory_space<semaphore_mem>>
      tpu.enqueue_dma source(%arg6 : memref<80xi32, #tpu.memory_space<hbm>>) target(%arg15 : memref<80xi32, #tpu.memory_space<vmem>>) target_semaphore(%run_scoped3A : memref<!tpu.dma_semaphore, #tpu.memory_space<semaphore_mem>>)
      tpu.wait_dma2 semaphore(%run_scoped3A : memref<!tpu.dma_semaphore, #tpu.memory_space<semaphore_mem>>) src(%arg6 : memref<80xi32, #tpu.memory_space<hbm>>) dst(%arg15 : memref<80xi32, #tpu.memory_space<vmem>>)
      tpu.yield
    }) : () -> ()
    %barrier3A = arith.constant 0 : index
    tpu.barrier barrier_id(%barrier3A)
    %mul3A_3 = arith.constant 16 : i32
    %mul3A_4 = arith.muli %arg0, %mul3A_3 : i32
    %add3A = arith.addi %mul3A_4, %arg1 : i32
    %broadcast_in_dim3A = arith.constant 1.000000e+00 : f32
    %broadcast_in_dim3A_5 = vector.broadcast %broadcast_in_dim3A : f32 to vector<16xf32>
    %scan3A = arith.constant 0 : i32
    %scan3A_6 = arith.constant 0 : i32
    %scan3A_7 = arith.constant 79 : i32
    %scan3A_8 = arith.addi %scan3A_6, %scan3A_7 : i32
    %scan3A_9 = arith.constant 1 : i32
    scf.for %scan3A_17 = %scan3A_6 to %scan3A_8 step %scan3A_9  : i32 {
      "tpu.region"() ({
        %run_scoped3A_107 = tpu.sem_alloc : memref<!tpu.dma_semaphore, #tpu.memory_space<semaphore_mem>>
        %dma_start3A_108 = arith.constant 0 : i32
        %dma_start3A_109 = arith.constant 0 : i32
        %dma_start3A_110 = tpu.memref_slice %arg3[%add3A, %scan3A_17, %dma_start3A_108, %dma_start3A_109] : memref<32x79x2x128xi32, #tpu.memory_space<hbm>> -> memref<1x1x2x128xi32, #tpu.memory_space<hbm>>
        %dma_start3A_111 = tpu.memref_squeeze %dma_start3A_110 : memref<1x1x2x128xi32, #tpu.memory_space<hbm>> -> memref<2x128xi32, #tpu.memory_space<hbm>>
        %dma_start3A_112 = arith.constant 0 : i32
        %dma_start3A_113 = arith.constant 0 : i32
        %dma_start3A_114 = tpu.memref_slice %arg3[%add3A, %scan3A_17, %dma_start3A_112, %dma_start3A_113] : memref<32x79x2x128xi32, #tpu.memory_space<hbm>> -> memref<1x1x2x128xi32, #tpu.memory_space<hbm>>
        %dma_start3A_115 = tpu.memref_squeeze %dma_start3A_114 : memref<1x1x2x128xi32, #tpu.memory_space<hbm>> -> memref<2x128xi32, #tpu.memory_space<hbm>>
        tpu.enqueue_dma source(%dma_start3A_115 : memref<2x128xi32, #tpu.memory_space<hbm>>) target(%arg9 : memref<2x128xi32, #tpu.memory_space<vmem>>) target_semaphore(%run_scoped3A_107 : memref<!tpu.dma_semaphore, #tpu.memory_space<semaphore_mem>>)
        %dma_wait3A_116 = arith.constant 0 : i32
        %dma_wait3A_117 = arith.constant 0 : i32
        %dma_wait3A_118 = tpu.memref_slice %arg3[%add3A, %scan3A_17, %dma_wait3A_116, %dma_wait3A_117] : memref<32x79x2x128xi32, #tpu.memory_space<hbm>> -> memref<1x1x2x128xi32, #tpu.memory_space<hbm>>
        %dma_wait3A_119 = tpu.memref_squeeze %dma_wait3A_118 : memref<1x1x2x128xi32, #tpu.memory_space<hbm>> -> memref<2x128xi32, #tpu.memory_space<hbm>>
        %dma_wait3A_120 = arith.constant 0 : i32
        %dma_wait3A_121 = arith.constant 0 : i32
        %dma_wait3A_122 = tpu.memref_slice %arg3[%add3A, %scan3A_17, %dma_wait3A_120, %dma_wait3A_121] : memref<32x79x2x128xi32, #tpu.memory_space<hbm>> -> memref<1x1x2x128xi32, #tpu.memory_space<hbm>>
        %dma_wait3A_123 = tpu.memref_squeeze %dma_wait3A_122 : memref<1x1x2x128xi32, #tpu.memory_space<hbm>> -> memref<2x128xi32, #tpu.memory_space<hbm>>
        tpu.wait_dma2 semaphore(%run_scoped3A_107 : memref<!tpu.dma_semaphore, #tpu.memory_space<semaphore_mem>>) src(%dma_wait3A_123 : memref<2x128xi32, #tpu.memory_space<hbm>>) dst(%arg9 : memref<2x128xi32, #tpu.memory_space<vmem>>)
        tpu.yield
      }) : () -> ()
      %dma_start3A = arith.constant 0 : i32
      %dma_start3A_18 = arith.constant 0 : i32
      %dma_start3A_19 = tpu.memref_slice %arg9[%dma_start3A, %dma_start3A_18] : memref<2x128xi32, #tpu.memory_space<vmem>> -> memref<1x128xi32, #tpu.memory_space<vmem>>
      %dma_start3A_20 = tpu.memref_squeeze %dma_start3A_19 : memref<1x128xi32, #tpu.memory_space<vmem>> -> memref<128xi32, #tpu.memory_space<vmem>>
      %dma_start3A_21 = arith.constant 0 : i32
      %dma_start3A_22 = arith.constant 0 : i32
      %dma_start3A_23 = tpu.memref_slice %arg2[%dma_start3A_21, %dma_start3A_22] : memref<10000x128xf32, #tpu.memory_space<hbm>> -> memref<10000x128xf32, #tpu.memory_space<hbm>>
      tpu.enqueue_indirect_dma source(%dma_start3A_23 : memref<10000x128xf32, #tpu.memory_space<hbm>>) target(%arg10 : memref<128x128xf32, #tpu.memory_space<vmem>>) offsets(%dma_start3A_20 : memref<128xi32, #tpu.memory_space<vmem>>) semaphore(%arg12 : memref<!tpu.dma_semaphore, #tpu.memory_space<semaphore_mem>>)
      %get3A = arith.constant 1 : i32
      %get3A_24 = arith.index_cast %get3A : i32 to index
      %get3A_25 = arith.constant 0 : index
      %get3A_26 = tpu.vector_load %arg9[%get3A_24, %get3A_25] {strides = array<i32>} : memref<2x128xi32, #tpu.memory_space<vmem>>, vector<16xi32>,
      %shift_right_arithmetic3A = arith.constant 7 : i32
      %shift_right_arithmetic3A_27 = vector.broadcast %shift_right_arithmetic3A : i32 to vector<16xi32>
      %shift_right_arithmetic3A_28 = arith.shrsi %get3A_26, %shift_right_arithmetic3A_27 : vector<16xi32>
      %and3A = arith.constant 127 : i32
      %and3A_29 = vector.broadcast %and3A : i32 to vector<16xi32>
      %and3A_30 = arith.andi %get3A_26, %and3A_29 : vector<16xi32>
      tpu.vector_store_idx %arg13[%shift_right_arithmetic3A_28, %and3A_30], %broadcast_in_dim3A_5 {add = true} : memref<80x128xf32, #tpu.memory_space<vmem>>[vector<16xi32>, vector<16xi32>], vector<16xf32>,
      %get3A_31 = arith.constant 1 : i32
      %get3A_32 = arith.index_cast %get3A_31 : i32 to index
      %get3A_33 = arith.constant 16 : index
      %get3A_34 = tpu.vector_load %arg9[%get3A_32, %get3A_33] {strides = array<i32>} : memref<2x128xi32, #tpu.memory_space<vmem>>, vector<16xi32>,
      %shift_right_arithmetic3A_35 = arith.constant 7 : i32
      %shift_right_arithmetic3A_36 = vector.broadcast %shift_right_arithmetic3A_35 : i32 to vector<16xi32>
      %shift_right_arithmetic3A_37 = arith.shrsi %get3A_34, %shift_right_arithmetic3A_36 : vector<16xi32>
      %and3A_38 = arith.constant 127 : i32
      %and3A_39 = vector.broadcast %and3A_38 : i32 to vector<16xi32>
      %and3A_40 = arith.andi %get3A_34, %and3A_39 : vector<16xi32>
      tpu.vector_store_idx %arg13[%shift_right_arithmetic3A_37, %and3A_40], %broadcast_in_dim3A_5 {add = true} : memref<80x128xf32, #tpu.memory_space<vmem>>[vector<16xi32>, vector<16xi32>], vector<16xf32>,
      %get3A_41 = arith.constant 1 : i32
      %get3A_42 = arith.index_cast %get3A_41 : i32 to index
      %get3A_43 = arith.constant 32 : index
      %get3A_44 = tpu.vector_load %arg9[%get3A_42, %get3A_43] {strides = array<i32>} : memref<2x128xi32, #tpu.memory_space<vmem>>, vector<16xi32>,
      %shift_right_arithmetic3A_45 = arith.constant 7 : i32
      %shift_right_arithmetic3A_46 = vector.broadcast %shift_right_arithmetic3A_45 : i32 to vector<16xi32>
      %shift_right_arithmetic3A_47 = arith.shrsi %get3A_44, %shift_right_arithmetic3A_46 : vector<16xi32>
      %and3A_48 = arith.constant 127 : i32
      %and3A_49 = vector.broadcast %and3A_48 : i32 to vector<16xi32>
      %and3A_50 = arith.andi %get3A_44, %and3A_49 : vector<16xi32>
      tpu.vector_store_idx %arg13[%shift_right_arithmetic3A_47, %and3A_50], %broadcast_in_dim3A_5 {add = true} : memref<80x128xf32, #tpu.memory_space<vmem>>[vector<16xi32>, vector<16xi32>], vector<16xf32>,
      %get3A_51 = arith.constant 1 : i32
      %get3A_52 = arith.index_cast %get3A_51 : i32 to index
      %get3A_53 = arith.constant 48 : index
      %get3A_54 = tpu.vector_load %arg9[%get3A_52, %get3A_53] {strides = array<i32>} : memref<2x128xi32, #tpu.memory_space<vmem>>, vector<16xi32>,
      %shift_right_arithmetic3A_55 = arith.constant 7 : i32
      %shift_right_arithmetic3A_56 = vector.broadcast %shift_right_arithmetic3A_55 : i32 to vector<16xi32>
      %shift_right_arithmetic3A_57 = arith.shrsi %get3A_54, %shift_right_arithmetic3A_56 : vector<16xi32>
      %and3A_58 = arith.constant 127 : i32
      %and3A_59 = vector.broadcast %and3A_58 : i32 to vector<16xi32>
      %and3A_60 = arith.andi %get3A_54, %and3A_59 : vector<16xi32>
      tpu.vector_store_idx %arg13[%shift_right_arithmetic3A_57, %and3A_60], %broadcast_in_dim3A_5 {add = true} : memref<80x128xf32, #tpu.memory_space<vmem>>[vector<16xi32>, vector<16xi32>], vector<16xf32>,
      %get3A_61 = arith.constant 1 : i32
      %get3A_62 = arith.index_cast %get3A_61 : i32 to index
      %get3A_63 = arith.constant 64 : index
      %get3A_64 = tpu.vector_load %arg9[%get3A_62, %get3A_63] {strides = array<i32>} : memref<2x128xi32, #tpu.memory_space<vmem>>, vector<16xi32>,
      %shift_right_arithmetic3A_65 = arith.constant 7 : i32
      %shift_right_arithmetic3A_66 = vector.broadcast %shift_right_arithmetic3A_65 : i32 to vector<16xi32>
      %shift_right_arithmetic3A_67 = arith.shrsi %get3A_64, %shift_right_arithmetic3A_66 : vector<16xi32>
      %and3A_68 = arith.constant 127 : i32
      %and3A_69 = vector.broadcast %and3A_68 : i32 to vector<16xi32>
      %and3A_70 = arith.andi %get3A_64, %and3A_69 : vector<16xi32>
      tpu.vector_store_idx %arg13[%shift_right_arithmetic3A_67, %and3A_70], %broadcast_in_dim3A_5 {add = true} : memref<80x128xf32, #tpu.memory_space<vmem>>[vector<16xi32>, vector<16xi32>], vector<16xf32>,
      %get3A_71 = arith.constant 1 : i32
      %get3A_72 = arith.index_cast %get3A_71 : i32 to index
      %get3A_73 = arith.constant 80 : index
      %get3A_74 = tpu.vector_load %arg9[%get3A_72, %get3A_73] {strides = array<i32>} : memref<2x128xi32, #tpu.memory_space<vmem>>, vector<16xi32>,
      %shift_right_arithmetic3A_75 = arith.constant 7 : i32
      %shift_right_arithmetic3A_76 = vector.broadcast %shift_right_arithmetic3A_75 : i32 to vector<16xi32>
      %shift_right_arithmetic3A_77 = arith.shrsi %get3A_74, %shift_right_arithmetic3A_76 : vector<16xi32>
      %and3A_78 = arith.constant 127 : i32
      %and3A_79 = vector.broadcast %and3A_78 : i32 to vector<16xi32>
      %and3A_80 = arith.andi %get3A_74, %and3A_79 : vector<16xi32>
      tpu.vector_store_idx %arg13[%shift_right_arithmetic3A_77, %and3A_80], %broadcast_in_dim3A_5 {add = true} : memref<80x128xf32, #tpu.memory_space<vmem>>[vector<16xi32>, vector<16xi32>], vector<16xf32>,
      %get3A_81 = arith.constant 1 : i32
      %get3A_82 = arith.index_cast %get3A_81 : i32 to index
      %get3A_83 = arith.constant 96 : index
      %get3A_84 = tpu.vector_load %arg9[%get3A_82, %get3A_83] {strides = array<i32>} : memref<2x128xi32, #tpu.memory_space<vmem>>, vector<16xi32>,
      %shift_right_arithmetic3A_85 = arith.constant 7 : i32
      %shift_right_arithmetic3A_86 = vector.broadcast %shift_right_arithmetic3A_85 : i32 to vector<16xi32>
      %shift_right_arithmetic3A_87 = arith.shrsi %get3A_84, %shift_right_arithmetic3A_86 : vector<16xi32>
      %and3A_88 = arith.constant 127 : i32
      %and3A_89 = vector.broadcast %and3A_88 : i32 to vector<16xi32>
      %and3A_90 = arith.andi %get3A_84, %and3A_89 : vector<16xi32>
      tpu.vector_store_idx %arg13[%shift_right_arithmetic3A_87, %and3A_90], %broadcast_in_dim3A_5 {add = true} : memref<80x128xf32, #tpu.memory_space<vmem>>[vector<16xi32>, vector<16xi32>], vector<16xf32>,
      %get3A_91 = arith.constant 1 : i32
      %get3A_92 = arith.index_cast %get3A_91 : i32 to index
      %get3A_93 = arith.constant 112 : index
      %get3A_94 = tpu.vector_load %arg9[%get3A_92, %get3A_93] {strides = array<i32>} : memref<2x128xi32, #tpu.memory_space<vmem>>, vector<16xi32>,
      %shift_right_arithmetic3A_95 = arith.constant 7 : i32
      %shift_right_arithmetic3A_96 = vector.broadcast %shift_right_arithmetic3A_95 : i32 to vector<16xi32>
      %shift_right_arithmetic3A_97 = arith.shrsi %get3A_94, %shift_right_arithmetic3A_96 : vector<16xi32>
      %and3A_98 = arith.constant 127 : i32
      %and3A_99 = vector.broadcast %and3A_98 : i32 to vector<16xi32>
      %and3A_100 = arith.andi %get3A_94, %and3A_99 : vector<16xi32>
      tpu.vector_store_idx %arg13[%shift_right_arithmetic3A_97, %and3A_100], %broadcast_in_dim3A_5 {add = true} : memref<80x128xf32, #tpu.memory_space<vmem>>[vector<16xi32>, vector<16xi32>], vector<16xf32>,
      %dma_wait3A = arith.constant 0 : i32
      %dma_wait3A_101 = arith.constant 0 : i32
      %dma_wait3A_102 = tpu.memref_slice %arg9[%dma_wait3A, %dma_wait3A_101] : memref<2x128xi32, #tpu.memory_space<vmem>> -> memref<1x128xi32, #tpu.memory_space<vmem>>
      %dma_wait3A_103 = tpu.memref_squeeze %dma_wait3A_102 : memref<1x128xi32, #tpu.memory_space<vmem>> -> memref<128xi32, #tpu.memory_space<vmem>>
      %dma_wait3A_104 = arith.constant 0 : i32
      %dma_wait3A_105 = arith.constant 0 : i32
      %dma_wait3A_106 = tpu.memref_slice %arg2[%dma_wait3A_104, %dma_wait3A_105] : memref<10000x128xf32, #tpu.memory_space<hbm>> -> memref<10000x128xf32, #tpu.memory_space<hbm>>
      tpu.wait_indirect_dma semaphore(%arg12 : memref<!tpu.dma_semaphore, #tpu.memory_space<semaphore_mem>>) src(%dma_wait3A_106 : memref<10000x128xf32, #tpu.memory_space<hbm>>) dst(%arg10 : memref<128x128xf32, #tpu.memory_space<vmem>>)
      %run_scoped3A = arith.constant 1 : i32
      "tpu.region"() ({
        %run_scoped3A_107 = tpu.sem_alloc : memref<!tpu.dma_semaphore, #tpu.memory_space<semaphore_mem>>
        %dma_start3A_108 = arith.constant 0 : i32
        %dma_start3A_109 = tpu.memref_slice %arg9[%run_scoped3A, %dma_start3A_108] : memref<2x128xi32, #tpu.memory_space<vmem>> -> memref<1x128xi32, #tpu.memory_space<vmem>>
        %dma_start3A_110 = tpu.memref_squeeze %dma_start3A_109 : memref<1x128xi32, #tpu.memory_space<vmem>> -> memref<128xi32, #tpu.memory_space<vmem>>
        %dma_start3A_111 = arith.constant 0 : i32
        %dma_start3A_112 = arith.constant 0 : i32
        %dma_start3A_113 = tpu.memref_slice %arg11[%dma_start3A_111, %dma_start3A_112] : memref<10240x128xf32, #tpu.memory_space<vmem_shared>> -> memref<10240x128xf32, #tpu.memory_space<vmem_shared>>
        tpu.enqueue_indirect_dma source(%arg10 : memref<128x128xf32, #tpu.memory_space<vmem>>) target(%dma_start3A_113 : memref<10240x128xf32, #tpu.memory_space<vmem_shared>>) offsets(%dma_start3A_110 : memref<128xi32, #tpu.memory_space<vmem>>) semaphore(%run_scoped3A_107 : memref<!tpu.dma_semaphore, #tpu.memory_space<semaphore_mem>>) {add = true}
        %dma_wait3A_114 = arith.constant 0 : i32
        %dma_wait3A_115 = tpu.memref_slice %arg9[%run_scoped3A, %dma_wait3A_114] : memref<2x128xi32, #tpu.memory_space<vmem>> -> memref<1x128xi32, #tpu.memory_space<vmem>>
        %dma_wait3A_116 = tpu.memref_squeeze %dma_wait3A_115 : memref<1x128xi32, #tpu.memory_space<vmem>> -> memref<128xi32, #tpu.memory_space<vmem>>
        %dma_wait3A_117 = arith.constant 0 : i32
        %dma_wait3A_118 = arith.constant 0 : i32
        %dma_wait3A_119 = tpu.memref_slice %arg11[%dma_wait3A_117, %dma_wait3A_118] : memref<10240x128xf32, #tpu.memory_space<vmem_shared>> -> memref<10240x128xf32, #tpu.memory_space<vmem_shared>>
        tpu.wait_indirect_dma semaphore(%run_scoped3A_107 : memref<!tpu.dma_semaphore, #tpu.memory_space<semaphore_mem>>) src(%arg10 : memref<128x128xf32, #tpu.memory_space<vmem>>) dst(%dma_wait3A_119 : memref<10240x128xf32, #tpu.memory_space<vmem_shared>>)
        tpu.yield
      }) : () -> ()
    }
    %scan3A_10 = arith.constant 79 : i32
    "tpu.region"() ({
      %run_scoped3A = tpu.sem_alloc : memref<!tpu.dma_semaphore, #tpu.memory_space<semaphore_mem>>
      %dma_start3A = arith.constant 0 : i32
      %dma_start3A_17 = arith.constant 0 : i32
      %dma_start3A_18 = tpu.memref_slice %arg14[%dma_start3A, %dma_start3A_17] : memref<80x128xf32, #tpu.memory_space<vmem_shared>> -> memref<80x128xf32, #tpu.memory_space<vmem_shared>>
      tpu.enqueue_indirect_dma source(%arg13 : memref<80x128xf32, #tpu.memory_space<vmem>>) target(%dma_start3A_18 : memref<80x128xf32, #tpu.memory_space<vmem_shared>>) offsets(%arg15 : memref<80xi32, #tpu.memory_space<vmem>>) semaphore(%run_scoped3A : memref<!tpu.dma_semaphore, #tpu.memory_space<semaphore_mem>>) {add = true}
      %dma_wait3A = arith.constant 0 : i32
      %dma_wait3A_19 = arith.constant 0 : i32
      %dma_wait3A_20 = tpu.memref_slice %arg14[%dma_wait3A, %dma_wait3A_19] : memref<80x128xf32, #tpu.memory_space<vmem_shared>> -> memref<80x128xf32, #tpu.memory_space<vmem_shared>>
      tpu.wait_indirect_dma semaphore(%run_scoped3A : memref<!tpu.dma_semaphore, #tpu.memory_space<semaphore_mem>>) src(%arg13 : memref<80x128xf32, #tpu.memory_space<vmem>>) dst(%dma_wait3A_20 : memref<80x128xf32, #tpu.memory_space<vmem_shared>>)
      tpu.yield
    }) : () -> ()
    %barrier3A_11 = arith.constant 0 : index
    tpu.barrier barrier_id(%barrier3A_11)
    "tpu.region"() ({
      %run_scoped3A = tpu.sem_alloc : memref<!tpu.dma_semaphore, #tpu.memory_space<semaphore_mem>>
      %dma_start3A = arith.constant 0 : i32
      %dma_start3A_17 = tpu.memref_slice %arg7[%arg0, %mul3A_0, %dma_start3A] : memref<2x10240x128xf32, #tpu.memory_space<hbm>> -> memref<1x640x128xf32, #tpu.memory_space<hbm>>
      %dma_start3A_18 = tpu.memref_squeeze %dma_start3A_17 : memref<1x640x128xf32, #tpu.memory_space<hbm>> -> memref<640x128xf32, #tpu.memory_space<hbm>>
      %dma_start3A_19 = arith.constant 0 : i32
      %dma_start3A_20 = tpu.memref_slice %arg11[%mul3A_0, %dma_start3A_19] : memref<10240x128xf32, #tpu.memory_space<vmem_shared>> -> memref<640x128xf32, #tpu.memory_space<vmem_shared>>
      tpu.enqueue_dma source(%dma_start3A_20 : memref<640x128xf32, #tpu.memory_space<vmem_shared>>) target(%dma_start3A_18 : memref<640x128xf32, #tpu.memory_space<hbm>>) target_semaphore(%run_scoped3A : memref<!tpu.dma_semaphore, #tpu.memory_space<semaphore_mem>>)
      %dma_wait3A = arith.constant 0 : i32
      %dma_wait3A_21 = tpu.memref_slice %arg7[%arg0, %mul3A_0, %dma_wait3A] : memref<2x10240x128xf32, #tpu.memory_space<hbm>> -> memref<1x640x128xf32, #tpu.memory_space<hbm>>
      %dma_wait3A_22 = tpu.memref_squeeze %dma_wait3A_21 : memref<1x640x128xf32, #tpu.memory_space<hbm>> -> memref<640x128xf32, #tpu.memory_space<hbm>>
      %dma_wait3A_23 = arith.constant 0 : i32
      %dma_wait3A_24 = tpu.memref_slice %arg11[%mul3A_0, %dma_wait3A_23] : memref<10240x128xf32, #tpu.memory_space<vmem_shared>> -> memref<640x128xf32, #tpu.memory_space<vmem_shared>>
      tpu.wait_dma2 semaphore(%run_scoped3A : memref<!tpu.dma_semaphore, #tpu.memory_space<semaphore_mem>>) src(%dma_wait3A_24 : memref<640x128xf32, #tpu.memory_space<vmem_shared>>) dst(%dma_wait3A_22 : memref<640x128xf32, #tpu.memory_space<hbm>>)
      tpu.yield
    }) : () -> ()
    %lt3A_12 = arith.constant 10 : i32
    %lt3A_13 = arith.cmpi slt, %arg1, %lt3A_12 : i32
    %convert_element_type3A_14 = arith.extui %lt3A_13 : i1 to i32
    %cond3A_15 = arith.constant 0 : i32
    %cond3A_16 = arith.cmpi ne, %convert_element_type3A_14, %cond3A_15 : i32
    scf.if %cond3A_16 {
      %mul3A_17 = arith.constant 8 : i32
      %mul3A_18 = arith.muli %arg1, %mul3A_17 : i32
      %mul3A_19 = arith.constant 8 : i32
      %mul3A_20 = arith.muli %arg1, %mul3A_19 : i32
      "tpu.region"() ({
        %run_scoped3A = tpu.sem_alloc : memref<!tpu.dma_semaphore, #tpu.memory_space<semaphore_mem>>
        %dma_start3A = arith.constant 0 : i32
        %dma_start3A_21 = tpu.memref_slice %arg8[%arg0, %mul3A_20, %dma_start3A] : memref<2x80x128xf32, #tpu.memory_space<hbm>> -> memref<1x8x128xf32, #tpu.memory_space<hbm>>
        %dma_start3A_22 = tpu.memref_squeeze %dma_start3A_21 : memref<1x8x128xf32, #tpu.memory_space<hbm>> -> memref<8x128xf32, #tpu.memory_space<hbm>>
        %dma_start3A_23 = arith.constant 0 : i32
        %dma_start3A_24 = tpu.memref_slice %arg14[%mul3A_18, %dma_start3A_23] : memref<80x128xf32, #tpu.memory_space<vmem_shared>> -> memref<8x128xf32, #tpu.memory_space<vmem_shared>>
        tpu.enqueue_dma source(%dma_start3A_24 : memref<8x128xf32, #tpu.memory_space<vmem_shared>>) target(%dma_start3A_22 : memref<8x128xf32, #tpu.memory_space<hbm>>) target_semaphore(%run_scoped3A : memref<!tpu.dma_semaphore, #tpu.memory_space<semaphore_mem>>)
        %dma_wait3A = arith.constant 0 : i32
        %dma_wait3A_25 = tpu.memref_slice %arg8[%arg0, %mul3A_20, %dma_wait3A] : memref<2x80x128xf32, #tpu.memory_space<hbm>> -> memref<1x8x128xf32, #tpu.memory_space<hbm>>
        %dma_wait3A_26 = tpu.memref_squeeze %dma_wait3A_25 : memref<1x8x128xf32, #tpu.memory_space<hbm>> -> memref<8x128xf32, #tpu.memory_space<hbm>>
        %dma_wait3A_27 = arith.constant 0 : i32
        %dma_wait3A_28 = tpu.memref_slice %arg14[%mul3A_18, %dma_wait3A_27] : memref<80x128xf32, #tpu.memory_space<vmem_shared>> -> memref<8x128xf32, #tpu.memory_space<vmem_shared>>
        tpu.wait_dma2 semaphore(%run_scoped3A : memref<!tpu.dma_semaphore, #tpu.memory_space<semaphore_mem>>) src(%dma_wait3A_28 : memref<8x128xf32, #tpu.memory_space<vmem_shared>>) dst(%dma_wait3A_26 : memref<8x128xf32, #tpu.memory_space<hbm>>)
        tpu.yield
      }) : () -> ()
    } else {
    }
    return
  }
}

module attributes {stable_mosaic.version = 14 : i64} {
  func.func @body(%arg0: i32, %arg1: memref<1024x128xf32, #tpu.memory_space<vmem>>, %arg2: memref<1024x128xf32, #tpu.memory_space<vmem>>, %arg3: memref<1024x1xf32, #tpu.memory_space<vmem>>, %arg4: memref<1024x1xf32, #tpu.memory_space<vmem>>, %arg5: memref<1024x128xf32, #tpu.memory_space<vmem>>, %arg6: memref<128x128xf32, #tpu.memory_space<vmem>>, %arg7: memref<1x128xf32, #tpu.memory_space<vmem>>, %arg8: memref<128x128xf32, #tpu.memory_space<vmem>>, %arg9: memref<1024x128xf32, #tpu.memory_space<vmem>>) attributes {dimension_semantics = [#tpu.dimension_semantics<arbitrary>], iteration_bounds = array<i64: 10>, scalar_prefetch = 0 : i64, scratch_operands = 0 : i64, tpu.core_type = #tpu.core_type<tc>, window_params = [{transform_indices = @transform_0, window_bounds = array<i64: 1024, 128>}, {transform_indices = @transform_1, window_bounds = array<i64: 1024, 128>}, {transform_indices = @transform_2, window_bounds = array<i64: 1024, 1>}, {transform_indices = @transform_3, window_bounds = array<i64: 1024, 1>}, {transform_indices = @transform_4, window_bounds = array<i64: 1024, 128>}, {pipeline_mode = #tpu.pipeline_mode<synchronous>, transform_indices = @transform_5, window_bounds = array<i64: 128, 128>}, {pipeline_mode = #tpu.pipeline_mode<synchronous>, transform_indices = @transform_6, window_bounds = array<i64: 1, 128>}, {pipeline_mode = #tpu.pipeline_mode<synchronous>, transform_indices = @transform_7, window_bounds = array<i64: 128, 128>}, {transform_indices = @transform_8, window_bounds = array<i64: 1024, 128>}]} {
    %get3A = arith.constant 0 : index
    %get3A_0 = arith.constant 0 : index
    %get3A_1 = vector.load %arg3[%get3A, %get3A_0] : memref<1024x1xf32, #tpu.memory_space<vmem>>, vector<1024x1xf32>
    %get3A_2 = arith.constant 0 : index
    %get3A_3 = arith.constant 0 : index
    %get3A_4 = vector.load %arg4[%get3A_2, %get3A_3] : memref<1024x1xf32, #tpu.memory_space<vmem>>, vector<1024x1xf32>
    %add3A = arith.addf %get3A_1, %get3A_4 : vector<1024x1xf32>
    %max3A = arith.constant 1.000000e+00 : f32
    %max3A_5 = vector.broadcast %max3A : f32 to vector<1024x1xf32>
    %max3A_6 = arith.maximumf %add3A, %max3A_5 : vector<1024x1xf32>
    %get3A_7 = arith.constant 0 : index
    %get3A_8 = arith.constant 0 : index
    %get3A_9 = vector.load %arg1[%get3A_7, %get3A_8] : memref<1024x128xf32, #tpu.memory_space<vmem>>, vector<1024x128xf32>
    %get3A_10 = arith.constant 0 : index
    %get3A_11 = arith.constant 0 : index
    %get3A_12 = vector.load %arg2[%get3A_10, %get3A_11] : memref<1024x128xf32, #tpu.memory_space<vmem>>, vector<1024x128xf32>
    %add3A_13 = arith.addf %get3A_9, %get3A_12 : vector<1024x128xf32>
    %div3A = vector.broadcast %max3A_6 : vector<1024x1xf32> to vector<1024x128xf32>
    %div3A_14 = arith.divf %add3A_13, %div3A : vector<1024x128xf32>
    %get3A_15 = arith.constant 0 : index
    %get3A_16 = arith.constant 0 : index
    %get3A_17 = vector.load %arg6[%get3A_15, %get3A_16] : memref<128x128xf32, #tpu.memory_space<vmem>>, vector<128x128xf32>
    %dot_general3A = arith.constant dense<0.000000e+00> : vector<1024x128xf32>
    %dot_general3A_18 = tpu.matmul %div3A_14, %get3A_17, %dot_general3A {dimension_numbers = #tpu.dot_dimension_numbers<[1], [0], [0], [1], [0, 0, 1, 1], [], []>, precision = #tpu.contract_precision<fp32>, transpose_lhs_hint = false} : vector<1024x128xf32>, vector<128x128xf32>, vector<1024x128xf32> -> vector<1024x128xf32>
    %get3A_19 = arith.constant 0 : index
    %get3A_20 = arith.constant 0 : index
    %get3A_21 = vector.load %arg7[%get3A_19, %get3A_20] : memref<1x128xf32, #tpu.memory_space<vmem>>, vector<1x128xf32>
    %add3A_22 = vector.broadcast %get3A_21 : vector<1x128xf32> to vector<1024x128xf32>
    %add3A_23 = arith.addf %dot_general3A_18, %add3A_22 : vector<1024x128xf32>
    %get3A_24 = arith.constant 0 : index
    %get3A_25 = arith.constant 0 : index
    %get3A_26 = vector.load %arg5[%get3A_24, %get3A_25] : memref<1024x128xf32, #tpu.memory_space<vmem>>, vector<1024x128xf32>
    %get3A_27 = arith.constant 0 : index
    %get3A_28 = arith.constant 0 : index
    %get3A_29 = vector.load %arg8[%get3A_27, %get3A_28] : memref<128x128xf32, #tpu.memory_space<vmem>>, vector<128x128xf32>
    %dot_general3A_30 = arith.constant dense<0.000000e+00> : vector<1024x128xf32>
    %dot_general3A_31 = tpu.matmul %get3A_26, %get3A_29, %dot_general3A_30 {dimension_numbers = #tpu.dot_dimension_numbers<[1], [0], [0], [1], [0, 0, 1, 1], [], []>, precision = #tpu.contract_precision<fp32>, transpose_lhs_hint = false} : vector<1024x128xf32>, vector<128x128xf32>, vector<1024x128xf32> -> vector<1024x128xf32>
    %add3A_32 = arith.addf %add3A_23, %dot_general3A_31 : vector<1024x128xf32>
    %max3A_33 = arith.constant 0.000000e+00 : f32
    %max3A_34 = vector.broadcast %max3A_33 : f32 to vector<1024x128xf32>
    %max3A_35 = arith.maximumf %add3A_32, %max3A_34 : vector<1024x128xf32>
    %swap3A = arith.constant 0 : index
    %swap3A_36 = arith.constant 0 : index
    %swap3A_37 = vector.load %arg9[%swap3A, %swap3A_36] : memref<1024x128xf32, #tpu.memory_space<vmem>>, vector<1024x128xf32>
    tpu.vector_store %arg9[%swap3A, %swap3A_36], %max3A_35 {strides = array<i32>} : memref<1024x128xf32, #tpu.memory_space<vmem>>, vector<1024x128xf32>,
    return
  }
  func.func @transform_0(%arg0: i32) -> (i32, i32) {
    %c0_i32 = arith.constant 0 : i32
    %c0_i32_0 = arith.constant 0 : i32
    return %arg0, %c0_i32 : i32, i32
  }
  func.func @transform_1(%arg0: i32) -> (i32, i32) {
    %c0_i32 = arith.constant 0 : i32
    %c0_i32_0 = arith.constant 0 : i32
    return %arg0, %c0_i32 : i32, i32
  }
  func.func @transform_2(%arg0: i32) -> (i32, i32) {
    %c0_i32 = arith.constant 0 : i32
    %c0_i32_0 = arith.constant 0 : i32
    return %arg0, %c0_i32 : i32, i32
  }
  func.func @transform_3(%arg0: i32) -> (i32, i32) {
    %c0_i32 = arith.constant 0 : i32
    %c0_i32_0 = arith.constant 0 : i32
    return %arg0, %c0_i32 : i32, i32
  }
  func.func @transform_4(%arg0: i32) -> (i32, i32) {
    %c0_i32 = arith.constant 0 : i32
    %c0_i32_0 = arith.constant 0 : i32
    return %arg0, %c0_i32 : i32, i32
  }
  func.func @transform_5(%arg0: i32) -> (i32, i32) {
    %c0_i32 = arith.constant 0 : i32
    %c0_i32_0 = arith.constant 0 : i32
    %c0_i32_1 = arith.constant 0 : i32
    return %c0_i32, %c0_i32_0 : i32, i32
  }
  func.func @transform_6(%arg0: i32) -> (i32, i32) {
    %c0_i32 = arith.constant 0 : i32
    %c0_i32_0 = arith.constant 0 : i32
    %c0_i32_1 = arith.constant 0 : i32
    return %c0_i32, %c0_i32_0 : i32, i32
  }
  func.func @transform_7(%arg0: i32) -> (i32, i32) {
    %c0_i32 = arith.constant 0 : i32
    %c0_i32_0 = arith.constant 0 : i32
    %c0_i32_1 = arith.constant 0 : i32
    return %c0_i32, %c0_i32_0 : i32, i32
  }
  func.func @transform_8(%arg0: i32) -> (i32, i32) {
    %c0_i32 = arith.constant 0 : i32
    %c0_i32_0 = arith.constant 0 : i32
    return %arg0, %c0_i32 : i32, i32
  }
}

module attributes {stable_mosaic.version = 14 : i64} {
  func.func @body(%arg0: i32, %arg1: memref<1024x128xf32, #tpu.memory_space<vmem>>, %arg2: memref<128x64xf32, #tpu.memory_space<vmem>>, %arg3: memref<1x64xf32, #tpu.memory_space<vmem>>, %arg4: memref<1024x64xf32, #tpu.memory_space<vmem>>) attributes {dimension_semantics = [#tpu.dimension_semantics<arbitrary>], iteration_bounds = array<i64: 10>, scalar_prefetch = 0 : i64, scratch_operands = 0 : i64, tpu.core_type = #tpu.core_type<tc>, window_params = [{transform_indices = @transform_0, window_bounds = array<i64: 1024, 128>}, {pipeline_mode = #tpu.pipeline_mode<synchronous>, transform_indices = @transform_1, window_bounds = array<i64: 128, 64>}, {pipeline_mode = #tpu.pipeline_mode<synchronous>, transform_indices = @transform_2, window_bounds = array<i64: 1, 64>}, {transform_indices = @transform_3, window_bounds = array<i64: 1024, 64>}]} {
    %get3A = arith.constant 0 : index
    %get3A_0 = arith.constant 0 : index
    %get3A_1 = vector.load %arg3[%get3A, %get3A_0] : memref<1x64xf32, #tpu.memory_space<vmem>>, vector<1x64xf32>
    %get3A_2 = arith.constant 0 : index
    %get3A_3 = arith.constant 0 : index
    %get3A_4 = vector.load %arg1[%get3A_2, %get3A_3] : memref<1024x128xf32, #tpu.memory_space<vmem>>, vector<1024x128xf32>
    %get3A_5 = arith.constant 0 : index
    %get3A_6 = arith.constant 0 : index
    %get3A_7 = vector.load %arg2[%get3A_5, %get3A_6] : memref<128x64xf32, #tpu.memory_space<vmem>>, vector<128x64xf32>
    %dot_general3A = arith.constant dense<0.000000e+00> : vector<1024x64xf32>
    %dot_general3A_8 = tpu.matmul %get3A_4, %get3A_7, %dot_general3A {dimension_numbers = #tpu.dot_dimension_numbers<[1], [0], [0], [1], [0, 0, 1, 1], [], []>, precision = #tpu.contract_precision<fp32>, transpose_lhs_hint = false} : vector<1024x128xf32>, vector<128x64xf32>, vector<1024x64xf32> -> vector<1024x64xf32>
    %add3A = vector.broadcast %get3A_1 : vector<1x64xf32> to vector<1024x64xf32>
    %add3A_9 = arith.addf %add3A, %dot_general3A_8 : vector<1024x64xf32>
    %swap3A = arith.constant 0 : index
    %swap3A_10 = arith.constant 0 : index
    %swap3A_11 = vector.load %arg4[%swap3A, %swap3A_10] : memref<1024x64xf32, #tpu.memory_space<vmem>>, vector<1024x64xf32>
    tpu.vector_store %arg4[%swap3A, %swap3A_10], %add3A_9 {strides = array<i32>} : memref<1024x64xf32, #tpu.memory_space<vmem>>, vector<1024x64xf32>,
    return
  }
  func.func @transform_0(%arg0: i32) -> (i32, i32) {
    %c0_i32 = arith.constant 0 : i32
    %c0_i32_0 = arith.constant 0 : i32
    return %arg0, %c0_i32 : i32, i32
  }
  func.func @transform_1(%arg0: i32) -> (i32, i32) {
    %c0_i32 = arith.constant 0 : i32
    %c0_i32_0 = arith.constant 0 : i32
    %c0_i32_1 = arith.constant 0 : i32
    return %c0_i32, %c0_i32_0 : i32, i32
  }
  func.func @transform_2(%arg0: i32) -> (i32, i32) {
    %c0_i32 = arith.constant 0 : i32
    %c0_i32_0 = arith.constant 0 : i32
    %c0_i32_1 = arith.constant 0 : i32
    return %c0_i32, %c0_i32_0 : i32, i32
  }
  func.func @transform_3(%arg0: i32) -> (i32, i32) {
    %c0_i32 = arith.constant 0 : i32
    %c0_i32_0 = arith.constant 0 : i32
    return %arg0, %c0_i32 : i32, i32
  }
}

module attributes {stable_mosaic.version = 14 : i64} {
  func.func @body(%arg0: i32, %arg1: memref<1024x128xf32, #tpu.memory_space<vmem>>, %arg2: memref<1024x128xf32, #tpu.memory_space<vmem>>, %arg3: memref<1024x1xf32, #tpu.memory_space<vmem>>, %arg4: memref<1024x1xf32, #tpu.memory_space<vmem>>, %arg5: memref<1024x64xf32, #tpu.memory_space<vmem>>, %arg6: memref<128x64xf32, #tpu.memory_space<vmem>>, %arg7: memref<1024x64xf32, #tpu.memory_space<vmem>>) attributes {dimension_semantics = [#tpu.dimension_semantics<arbitrary>], iteration_bounds = array<i64: 10>, scalar_prefetch = 0 : i64, scratch_operands = 0 : i64, tpu.core_type = #tpu.core_type<tc>, window_params = [{transform_indices = @transform_0, window_bounds = array<i64: 1024, 128>}, {transform_indices = @transform_1, window_bounds = array<i64: 1024, 128>}, {transform_indices = @transform_2, window_bounds = array<i64: 1024, 1>}, {transform_indices = @transform_3, window_bounds = array<i64: 1024, 1>}, {transform_indices = @transform_4, window_bounds = array<i64: 1024, 64>}, {pipeline_mode = #tpu.pipeline_mode<synchronous>, transform_indices = @transform_5, window_bounds = array<i64: 128, 64>}, {transform_indices = @transform_6, window_bounds = array<i64: 1024, 64>}]} {
    %get3A = arith.constant 0 : index
    %get3A_0 = arith.constant 0 : index
    %get3A_1 = vector.load %arg3[%get3A, %get3A_0] : memref<1024x1xf32, #tpu.memory_space<vmem>>, vector<1024x1xf32>
    %get3A_2 = arith.constant 0 : index
    %get3A_3 = arith.constant 0 : index
    %get3A_4 = vector.load %arg4[%get3A_2, %get3A_3] : memref<1024x1xf32, #tpu.memory_space<vmem>>, vector<1024x1xf32>
    %add3A = arith.addf %get3A_1, %get3A_4 : vector<1024x1xf32>
    %max3A = arith.constant 1.000000e+00 : f32
    %max3A_5 = vector.broadcast %max3A : f32 to vector<1024x1xf32>
    %max3A_6 = arith.maximumf %add3A, %max3A_5 : vector<1024x1xf32>
    %get3A_7 = arith.constant 0 : index
    %get3A_8 = arith.constant 0 : index
    %get3A_9 = vector.load %arg1[%get3A_7, %get3A_8] : memref<1024x128xf32, #tpu.memory_space<vmem>>, vector<1024x128xf32>
    %get3A_10 = arith.constant 0 : index
    %get3A_11 = arith.constant 0 : index
    %get3A_12 = vector.load %arg2[%get3A_10, %get3A_11] : memref<1024x128xf32, #tpu.memory_space<vmem>>, vector<1024x128xf32>
    %add3A_13 = arith.addf %get3A_9, %get3A_12 : vector<1024x128xf32>
    %div3A = vector.broadcast %max3A_6 : vector<1024x1xf32> to vector<1024x128xf32>
    %div3A_14 = arith.divf %add3A_13, %div3A : vector<1024x128xf32>
    %get3A_15 = arith.constant 0 : index
    %get3A_16 = arith.constant 0 : index
    %get3A_17 = vector.load %arg6[%get3A_15, %get3A_16] : memref<128x64xf32, #tpu.memory_space<vmem>>, vector<128x64xf32>
    %dot_general3A = arith.constant dense<0.000000e+00> : vector<1024x64xf32>
    %dot_general3A_18 = tpu.matmul %div3A_14, %get3A_17, %dot_general3A {dimension_numbers = #tpu.dot_dimension_numbers<[1], [0], [0], [1], [0, 0, 1, 1], [], []>, precision = #tpu.contract_precision<fp32>, transpose_lhs_hint = false} : vector<1024x128xf32>, vector<128x64xf32>, vector<1024x64xf32> -> vector<1024x64xf32>
    %get3A_19 = arith.constant 0 : index
    %get3A_20 = arith.constant 0 : index
    %get3A_21 = vector.load %arg5[%get3A_19, %get3A_20] : memref<1024x64xf32, #tpu.memory_space<vmem>>, vector<1024x64xf32>
    %add3A_22 = arith.addf %dot_general3A_18, %get3A_21 : vector<1024x64xf32>
    %reduce_max3A = arith.constant dense<0xFF800000> : vector<1024xf32>
    %reduce_max3A_23 = vector.multi_reduction <maximumf>, %add3A_22, %reduce_max3A [1] : vector<1024x64xf32> to vector<1024xf32>
    %broadcast_in_dim3A = vector.shape_cast %reduce_max3A_23 : vector<1024xf32> to vector<1024x1xf32>
    %sub3A = vector.broadcast %broadcast_in_dim3A : vector<1024x1xf32> to vector<1024x64xf32>
    %sub3A_24 = arith.subf %add3A_22, %sub3A : vector<1024x64xf32>
    %exp3A = math.exp %sub3A_24 : vector<1024x64xf32>
    %reduce_sum3A = arith.constant dense<0.000000e+00> : vector<1024xf32>
    %reduce_sum3A_25 = vector.multi_reduction <add>, %exp3A, %reduce_sum3A [1] : vector<1024x64xf32> to vector<1024xf32>
    %broadcast_in_dim3A_26 = vector.shape_cast %reduce_sum3A_25 : vector<1024xf32> to vector<1024x1xf32>
    %log3A = math.log %broadcast_in_dim3A_26 : vector<1024x1xf32>
    %sub3A_27 = vector.broadcast %log3A : vector<1024x1xf32> to vector<1024x64xf32>
    %sub3A_28 = arith.subf %sub3A_24, %sub3A_27 : vector<1024x64xf32>
    %swap3A = arith.constant 0 : index
    %swap3A_29 = arith.constant 0 : index
    %swap3A_30 = vector.load %arg7[%swap3A, %swap3A_29] : memref<1024x64xf32, #tpu.memory_space<vmem>>, vector<1024x64xf32>
    tpu.vector_store %arg7[%swap3A, %swap3A_29], %sub3A_28 {strides = array<i32>} : memref<1024x64xf32, #tpu.memory_space<vmem>>, vector<1024x64xf32>,
    return
  }
  func.func @transform_0(%arg0: i32) -> (i32, i32) {
    %c0_i32 = arith.constant 0 : i32
    %c0_i32_0 = arith.constant 0 : i32
    return %arg0, %c0_i32 : i32, i32
  }
  func.func @transform_1(%arg0: i32) -> (i32, i32) {
    %c0_i32 = arith.constant 0 : i32
    %c0_i32_0 = arith.constant 0 : i32
    return %arg0, %c0_i32 : i32, i32
  }
  func.func @transform_2(%arg0: i32) -> (i32, i32) {
    %c0_i32 = arith.constant 0 : i32
    %c0_i32_0 = arith.constant 0 : i32
    return %arg0, %c0_i32 : i32, i32
  }
  func.func @transform_3(%arg0: i32) -> (i32, i32) {
    %c0_i32 = arith.constant 0 : i32
    %c0_i32_0 = arith.constant 0 : i32
    return %arg0, %c0_i32 : i32, i32
  }
  func.func @transform_4(%arg0: i32) -> (i32, i32) {
    %c0_i32 = arith.constant 0 : i32
    %c0_i32_0 = arith.constant 0 : i32
    return %arg0, %c0_i32 : i32, i32
  }
  func.func @transform_5(%arg0: i32) -> (i32, i32) {
    %c0_i32 = arith.constant 0 : i32
    %c0_i32_0 = arith.constant 0 : i32
    %c0_i32_1 = arith.constant 0 : i32
    return %c0_i32, %c0_i32_0 : i32, i32
  }
  func.func @transform_6(%arg0: i32) -> (i32, i32) {
    %c0_i32 = arith.constant 0 : i32
    %c0_i32_0 = arith.constant 0 : i32
    return %arg0, %c0_i32 : i32, i32
  }
}

</mosaic_0001>

<sc_bundles>
// kernel: kernel.10.cloned.1.call-start
scs
__scs_entry_jumppad:
0x0: {  	(pc) =	sbr.rel $0x88, $3  }
0x1: {  	(tag) =	ssettag $0x0;
	lr =	simm.s32 $0x1  }
0x2: {  	[smem:$0x3F99] =	sst lr;
	_ =	strace $0xD0000000  }
0x3: {  	_ = 	snop  }
0x4: {  	_ = 	snop  }
0x5: {  	_ = 	snop  }
0x6: {  	_ = 	snop  }
0x7: {  	_ = 	snop  }
__scs_overlays_trampoline_lowered:
0x8: {  	[smem:$0x3FA8] =	sst s0  }
0x9: {  	[smem:$0x3FA9] =	sst s1  }
0xa: {  	[smem:$0x3FAA] =	sst s2  }
0xb: {  	[smem:$0x3FAB] =	sst s3  }
0xc: {  	[smem:$0x3FAC] =	sst s4  }
0xd: {  	[smem:$0x3FAD] =	sst s5  }
0xe: {  	[smem:$0x3FAE] =	sst s6  }
0xf: {  	[smem:$0x3FAF] =	sst s7  }
0x10: {  	[smem:$0x3FB0] =	sst s8  }
0x11: {  	[smem:$0x3FB1] =	sst s9;
	s0 =	simm.s32 @!p0 $0x0  }
0x12: {  	s1 =	sld [smem:$0x3F97];
	s0 =	simm.s32 @p0 $0x1  }
0x13: {  	[smem:$0x3FB2] =	sst s0;
	s0 =	simm.s32 @!p1 $0x0  }
0x14: {  	s2 =	sld [smem:$0x3F96];
	s0 =	simm.s32 @p1 $0x1  }
0x15: {  	[smem:$0x3FB3] =	sst s0;
	s0 =	simm.s32 @!p2 $0x0  }
0x16: {  	s3 =	sld [smem:$0x3FDB];
	s0 =	simm.s32 @p2 $0x1  }
0x17: {  	s4 =	simm.s32 $0x1BF5;
	[smem:$0x3FB5] =	sst s0  }
0x18: {  	s0 =	sld [smem:$0x3F98];
	_ =	swait.ge [sflag:s4], $0x0  }
0x19: {  	s7 =	sld [smem:$0x3F99]  }
0x1a: {  	s8 =	sadd.s32 $0xFFFFE003, lr  }
0x1b: {  	s9 =	sadd.s32 $0xFFFFFEF7, lr;
	s5 =	simm.s32 $0xFFFFFFFF;
	p2 =	slt.u32 s8, $0xFFFFF086  }
0x1c: {  	p1 =	slt.u32 s9, $0xF7A;
	s5 =	simm.s32 @!p2 $0x0  }
0x1d: {  	s5 =	simm.s32 @p1 $0x1;
	p0 =	seq.s32 s7, s2  }
0x1e: {  	s7 =	smul.u32 @!p0 $0xF7A, s2;
	p2 =	seq.s32 @!p0 s5, $0x0  }
0x1f: {  	s9 =	smul.u32 $0xF7A, s1;
	s8 =	simm.s32 @!p0 $0x1BF5;
	p2 =	por !p2, p0  }
0x20: {  	[sflag:s8] =	ssyncset.s32 @!p0 $0xFFFFF086;
	s6 =	sadd.s32 @!p0 s3, s7;
	s7 =	simm.s32 @!p0 $0x108  }
0x21: {  	s3 =	sadd.s32 s3, s9;
	s6 =	sadd.s32 @!p0 $0x88, s6;
	s7 =	simm.s32 @p2 $0x1082  }
0x22: {  	[simem:s7], [sflag:s8] =	dma.local @!p0 [hbm:s6], $0xF7A  }
0x23: {  	s9 =	sor.u32 $0xD0000000, s2;
	s6 =	simm.s32 $0x108;
	_ =	swait.ge @!p0 [sflag:s8], $0x0  }
0x24: {  	s3 =	sadd.s32 $0x88, s3;
	s6 =	simm.s32 @!p1 $0x1082;
	[sflag:s4] =	ssyncset.s32 $0xFFFFF086  }
0x25: {  	[simem:s6], [sflag:s4] =	dma.local [hbm:s3], $0xF7A  }
0x26: {  	[smem:$0x3F99] =	sst s1;
	(tag) =	ssettag s2;
	_ =	strace s9  }
0x27: {  	s1 =	sld [smem:$0x3FA9]  }
0x28: {  	s2 =	sld [smem:$0x3FAA]  }
0x29: {  	s4 =	sld [smem:$0x3FAC]  }
0x2a: {  	p0 =	seq.s32 s5, $0x0;
	s5 =	sld [smem:$0x3FAD]  }
0x2b: {  	s6 =	sld [smem:$0x3FAE]  }
0x2c: {  	s7 =	sld [smem:$0x3FAF]  }
0x2d: {  	s3 =	simm.s32 $0x108;
	s8 =	sld [smem:$0x3FB0]  }
0x2e: {  	s3 =	simm.s32 @!p0 $0x1082;
	s9 =	sld [smem:$0x3FB1]  }
0x2f: {  	lr =	sadd.s32 s0, s3;
	s0 =	sld [smem:$0x3FA8]  }
0x30: {  	s3 =	sld [smem:$0x3FAB]  }
0x31: {  	[smem:$0x3FB4] =	sst s10  }
0x32: {  	s10 =	sld [smem:$0x3FB2];
	_ =	sdelay $0x3  }
0x33: {  	p0 =	seq.s32 s10, $0x1;
	s10 =	sld [smem:$0x3FB4];
	_ =	sdelay $0x3  }
0x34: {  	[smem:$0x3FB4] =	sst s10  }
0x35: {  	s10 =	sld [smem:$0x3FB3];
	_ =	sdelay $0x3  }
0x36: {  	p1 =	seq.s32 s10, $0x1;
	s10 =	sld [smem:$0x3FB4];
	_ =	sdelay $0x3  }
0x37: {  	[smem:$0x3FB4] =	sst s10  }
0x38: {  	s10 =	sld [smem:$0x3FB5]  }
0x39: {  	_ = 	snop;
	(pc) =	sbr.ind lr, $3  }
0x3a: {  	_ = 	snop  }
0x3b: {  	_ = 	snop  }
0x3c: {  	p2 =	seq.s32 s10, $0x1;
	s10 =	sld [smem:$0x3FB4]  }
0x3d: {  	_ =	shalt  }
0x3e: {  	_ =	shalt  }
0x3f: {  	_ =	shalt  }
0x40: {  	_ =	shalt  }
0x41: {  	_ =	shalt  }
0x42: {  	_ =	shalt  }
0x43: {  	_ =	shalt  }
0x44: {  	_ =	shalt  }
0x45: {  	_ =	shalt  }
0x46: {  	_ =	shalt  }
0x47: {  	_ =	shalt  }
0x48: {  	_ =	shalt  }
0x49: {  	_ =	shalt  }
0x4a: {  	_ =	shalt  }
0x4b: {  	_ =	shalt  }
0x4c: {  	_ =	shalt  }
0x4d: {  	_ =	shalt  }
0x4e: {  	_ =	shalt  }
0x4f: {  	_ =	shalt  }
0x50: {  	_ =	shalt  }
0x51: {  	_ =	shalt  }
0x52: {  	_ =	shalt  }
0x53: {  	_ =	shalt  }
0x54: {  	_ =	shalt  }
0x55: {  	_ =	shalt  }
0x56: {  	_ =	shalt  }
0x57: {  	_ =	shalt  }
0x58: {  	_ =	shalt  }
0x59: {  	_ =	shalt  }
0x5a: {  	_ =	shalt  }
0x5b: {  	_ =	shalt  }
0x5c: {  	_ =	shalt  }
0x5d: {  	_ =	shalt  }
0x5e: {  	_ =	shalt  }
0x5f: {  	_ =	shalt  }
0x60: {  	_ =	shalt  }
0x61: {  	_ =	shalt  }
0x62: {  	_ =	shalt  }
0x63: {  	_ =	shalt  }
0x64: {  	_ =	shalt  }
0x65: {  	_ =	shalt  }
0x66: {  	_ =	shalt  }
0x67: {  	_ =	shalt  }
0x68: {  	_ =	shalt  }
0x69: {  	_ =	shalt  }
0x6a: {  	_ =	shalt  }
0x6b: {  	_ =	shalt  }
0x6c: {  	_ =	shalt  }
0x6d: {  	_ =	shalt  }
0x6e: {  	_ =	shalt  }
0x6f: {  	_ =	shalt  }
0x70: {  	_ =	shalt  }
0x71: {  	_ =	shalt  }
0x72: {  	_ =	shalt  }
0x73: {  	_ =	shalt  }
0x74: {  	_ =	shalt  }
0x75: {  	_ =	shalt  }
0x76: {  	_ =	shalt  }
0x77: {  	_ =	shalt  }
0x78: {  	_ =	shalt  }
0x79: {  	_ =	shalt  }
0x7a: {  	_ =	shalt  }
0x7b: {  	_ =	shalt  }
0x7c: {  	_ =	shalt  }
0x7d: {  	_ =	shalt  }
0x7e: {  	_ =	shalt  }
0x7f: {  	_ =	shalt  }
0x80: {  	_ =	shalt  }
0x81: {  	_ =	shalt  }
0x82: {  	_ =	shalt  }
0x83: {  	_ =	shalt  }
0x84: {  	_ =	shalt  }
0x85: {  	_ =	shalt  }
0x86: {  	_ =	shalt  }
0x87: {  	_ =	shalt  }
.Lfunc_end0:
.L_simem_size_0:
called_computation.1_lowered:
.L_overlay_start_0:
0x88: {  	s2 =	sld [smem:$0x3FD9]  }
0x89: {  	s3 =	sld [smem:$0x3FFE];
	_ =	sdelay $0x1  }
0x8a: {  	s1 =	srdreg.scid  }
0x8b: {  	s0 =	sand.u32 $0x1, s1  }
0x8c: {  	s17 =	sshll.u32 s0, $0xA;
	s2 =	sadd.s32 s3, s2  }
0x8d: {  	s2 =	sadd.s32 s2, s17  }
0x8e: {  	[smem:$0x3FC0] =	sst s2  }
0x8f: {  	_ = 	snop  }
0x90: {  	s2 =	sld [smem:$0x3FD0];
	(tm) =	ssettm $0x1  }
0x91: {  	s18 =	sld [smem:$0x3FFB];
	_ =	sdelay $0x3  }
0x92: {  	_ =	strace s18  }
0x93: {  	s3 =	sld [smem:$0x3FFC];
	_ =	sdelay $0x3  }
0x94: {  	_ =	strace s3  }
0x95: {  	s3 =	sld [smem:$0x3FFD];
	_ =	sdelay $0x3  }
0x96: {  	_ =	strace s3  }
0x97: {  	_ =	strace $0x8FFFFFFF  }
0x98: {  	s19 =	sld [smem:$0x3FDB];
	_ =	sdelay $0x1  }
0x99: {  	s4 =	simm.s32 $_scs_section_size  }
0x9a: {  	s5 =	simm.s32 $_size__tile_overlayer_lowered;
	s6 =	simm.s32 $_tile_overlayer_lowered  }
0x9b: {  	s22 =	simm.s32 $0x1BFF;
	s21 =	sshll.u32 s6, $0x1;
	s3 =	sadd.s32 s4, s19  }
0x9c: {  	s7 =	simm.s32 $0x0;
	s20 =	sshll.u32 s5, $0x1;
	s5 =	sadd.s32 s21, s3  }
0x9d: {  	[timem:s7], [sflag:s22] =	dma.local [hbm:s5], s20  }
0x9e: {  	_ =	swait.ge [sflag:s22], s20  }
0x9f: {  	s4 =	ssub.s32 $0x0, s20;
	[sflag:s22] =	ssyncset.done $0x0  }
0xa0: {  	[sflag:s22] =	ssyncadd.s32 s4;
	_ =	sdelay $0x1  }
0xa1: {  	s23 =	simm.s32 $0x1B8B  }
0xa2: {  	_ =	swait.ge [sflag:s23], $0x1  }
0xa3: {  	[sflag:s23] =	ssyncset.done $0x0  }
0xa4: {  	s25 =	simm.s32 $0x1B8E;
	s24 =	sld [smem:$0x3FFE];
	[sflag:s23] =	ssyncadd.s32 $0xFFFFFFFF  }
0xa5: {  	s26 =	simm.s32 $execute0_lowered;
	[smem:$0x3FD2] =	sst s25  }
0xa6: {  	s5 =	sshll.u32 s26, $0x1;
	_ =	strace $0x80000049;
	[dreg:$0x1] =	wrdreg $0xFFFFFFFF  }
0xa7: {  	s28 =	simm.s32 $_size_execute0_lowered;
	s3 =	sadd.s32 s3, s5;
	[dreg:$0x0] =	wrdreg $0x0  }
0xa8: {  	s5 =	sshll.u32 s28, $0x1;
	[dreg:$0x2] =	wrdreg s3  }
0xa9: {  	[dreg:$0x3] =	wrdreg s5  }
0xaa: {  	[dreg:$0x4] =	wrdreg $0xC0  }
0xab: {  	_ =	task [dreg:s7], $0x5FFFF  }
0xac: {  	[dreg:$0x1] =	wrdreg $0xFFFFFFFF  }
0xad: {  	[dreg:$0x0] =	wrdreg $0x60  }
0xae: {  	[dreg:$0x2] =	wrdreg s24  }
0xaf: {  	[dreg:$0x3] =	wrdreg s2  }
0xb0: {  	[dreg:$0x4] =	wrdreg $0x41000  }
0xb1: {  	[dreg:$0x5] =	wrdreg $0x9  }
0xb2: {  	_ =	task.clear_ibuf [dreg:s7], $0x6FFFF;
	_ =	strace $0x90000049  }
0xb3: {  	s29 =	simm.s32 $0x9;
	_ =	strace $0x8000004B  }
0xb4: {  	_ =	swait.ge [sflag:s29], $0x1  }
0xb5: {  	[sflag:s29] =	ssyncadd.s32 $0xFFFFFFFF  }
0xb6: {  	_ =	strace $0x9000004B  }
0xb7: {  	_ =	sfence  }
0xb8: {  	s30 =	sld [smem:$0x0];
	_ =	sdelay $0x2  }
0xb9: {  	s31 =	sshll.u32 s1, $0xD;
	s1 =	sshrl.u32 s1, $0x2  }
0xba: {  	s3 =	sand.u32 $0x4000, s31;
	s1 =	sadd.s32 s1, s30  }
0xbb: {  	s0 =	sor.u32 s3, s0;
	s1 =	sshll.u32 s1, $0x11  }
0xbc: {  	s0 =	sor.u32 s1, s0  }
0xbd: {  	s0 =	sadd.s32 $0x8F2B, s0  }
0xbe: {  	[sflag:s0] =	ssyncadd.remote.s32 $0x1  }
0xbf: {  	_ =	sfence.sel $0xFFFF  }
0xc0: {  	[dreg:$0x0] =	wrdreg $0xFFFFFFFF;
	(pc) =	sbr.abs _section_cstart, $3  }
0xc1: {  	[dreg:$0x1] =	wrdreg $0xFFFFFFFF  }
0xc2: {  	_ =	task.clear_ibuf [dreg:s7], $0x2FFFF;
	_ =	strace $0x9FFFFFFF  }
0xc3: {  	(tm) =	ssettm $0x7FFFFFFF  }
tec
execute0_lowered:
.L_overlay_start_1:
0x0: {  	(tag) =	ssettag $0x1  }
0x1: {  	s5 =	rddreg [dreg:$0x0]  }
0x2: {  	s9 =	rddreg [dreg:$0x1]  }
0x3: {  	s2 =	rddreg [dreg:$0x2];
	s1 =	stileid.u32  }
0x4: {  	s0 =	rddreg [dreg:$0x3];
	s3 =	simm.s32 $0x0;
	s6 =	smul.u32 $0x14000, s1  }
0x5: {  	s4 =	srdreg.scid;
	s15 =	simm.s32 $0x0;
	s11 =	smul.u32 $0x50000, s1  }
0x6: {  	[smem:$0x7FF] =	sst s3;
	s7 =	sand.u32 $0x1, s4;
	s13 =	smul.u32 $0x4F00, s1  }
0x7: {  	s4 =	sadd.s32 $0x2A800, s5;
	s30 =	sshll.u32 s1, $0x6;
	s10 =	smul.u32 $0x140000, s7  }
0x8: {  	_ =	strace $0x8000004A;
	s28 =	ssub.s32 $0x2, s7;
	s7 =	smul.u32 $0x4F000, s7  }
0x9: {  	s8 =	sshrl.u32 s6, $0x3;
	s12 =	sshrl.u32 s28, $0x1;
	s29 =	sshrl.u32 s11, $0x2  }
0xa: {  	s8 =	sadd.s32 s8, s5;
	s6 =	sadd.s32 s6, s10;
	s10 =	ssub.s32 s28, s12  }
0xb: {  	s11 =	sadd.s32 s29, s2;
	s7 =	sadd.s32 s13, s7;
	s12 =	simm.s32 $0x80  }
0xc: {  	s13 =	simm.s32 $0x100;
	s6 =	sshrl.u32 s6, $0x3;
	s31 =	sshrl.u32 s7, $0x3  }
0xd: {  	s14 =	sadd.s32 s6, s5;
	s5 =	sadd.s32 $0x2800, s8;
	s6 =	sor.u32 $0x1C02, s30  }
0xe: {  	s8 =	smax.u32 s10, $0x1;
	s9 =	sadd.s32 s31, s9;
	s10 =	sshrl.u32 s11, $0x3  }
0xf: {  	s11 =	simm.s32 $0x2;
	s7 =	sadd.s32 $0x52800, s14;
	s14 =	simm.s32 $0x1  }
.LBB2_1:
0x10: {  	[spmem:s10], [sflag:s6] =	dma.local [hbm:s5], $0x2800  }
0x11: {  	_ =	swait.ge [sflag:s11], $0x2800  }
0x12: {  	[sflag:s11] =	ssyncset.done $0x0  }
0x13: {  	[sflag:s11] =	ssyncadd.s32 $0xFFFFD800  }
0x14: {  	s16 =	sadd.s32 $0x0, s9;
	[bflag:$0x0] =	sbarrier.arrive $0xFFFF  }
0x15: {  	[tilespmem:s3], [sflag:$0x2] =	stream.linear.gather [hbm4b:s16+s3], $0x100, $0x38;
	[tilespmem:$0x18100] =	vst v63  }
0x16: {  	_ =	swait.ge [sflag:s11], $0x100  }
0x17: {  	[sflag:s11] =	ssyncset.done $0x0  }
0x18: {  	[sflag:s11] =	ssyncadd.s32 $0xFFFFFF00  }
0x19: {  	[tilespmem:s13], [sflag:$0x1] =	stream.indirect.gather [hbm4b:s4+s12], $0x80, s3, s12, $0xb8;
	[tilespmem:$0x18100] =	vst v63  }
0x1a: {  	_ =	swait.ge [sflag:s14], $0x4000  }
0x1b: {  	[sflag:s14] =	ssyncset.done $0x0  }
0x1c: {  	[sflag:s14] =	ssyncadd.s32 $0xFFFFC000  }
0x1d: {  	[spmem:s2] =	stream.indirect.scatter.add.f32 [tilespmem:s13], [sflag:$0x2], $0x80, s12, s12, $0xb8;
	[tilespmem:$0x18100] =	vst v63  }
0x1e: {  	_ =	swait.ge [sflag:s11], $0x4000  }
0x1f: {  	s17 =	simm.s32 $0x40;
	s16 =	simm.s32 $0x20;
	[sflag:s11] =	ssyncset.done $0x0  }
.LBB2_2:
0x20: {  	s18 =	sadd.s32 s16, s9  }
0x21: {  	[sflag:s11] =	ssyncadd.s32 $0xFFFFC000;
	s16 =	smov.u32 s17;
	s19 =	sadd.s32 $0x20, s17  }
0x22: {  	[tilespmem:s3], [sflag:$0x2] =	stream.linear.gather [hbm4b:s18+s3], $0x100, $0x38;
	[tilespmem:$0x18100] =	vst v63  }
0x23: {  	p0 =	sne.s32 s17, $0x9C0;
	_ =	swait.ge [sflag:s11], $0x100  }
0x24: {  	[sflag:s11] =	ssyncset.done $0x0  }
0x25: {  	[sflag:s11] =	ssyncadd.s32 $0xFFFFFF00  }
0x26: {  	[tilespmem:s13], [sflag:$0x1] =	stream.indirect.gather [hbm4b:s4+s12], $0x80, s3, s12, $0xb8;
	[tilespmem:$0x18100] =	vst v63  }
0x27: {  	_ =	swait.ge [sflag:s14], $0x4000  }
.Ltmp0:
0x28: {  	[sflag:s14] =	ssyncset.done $0x0;
	(pc) =	sbr.rel @p0 .LBB2_2-.Ltmp0, $4  }
0x29: {  	[sflag:s14] =	ssyncadd.s32 $0xFFFFC000  }
0x2a: {  	[spmem:s2] =	stream.indirect.scatter.add.f32 [tilespmem:s13], [sflag:$0x2], $0x80, s12, s12, $0xb8;
	[tilespmem:$0x18100] =	vst v63  }
0x2b: {  	_ =	swait.ge [sflag:s11], $0x4000  }
0x2c: {  	s17 =	smov.u32 s19;
	[sflag:s11] =	ssyncset.done $0x0  }
0x2d: {  	s16 =	sadd.s32 s16, s9;
	[sflag:s11] =	ssyncadd.s32 $0xFFFFC000  }
0x2e: {  	[tilespmem:s3], [sflag:$0x2] =	stream.linear.gather [hbm4b:s16+s3], $0x100, $0x38;
	[tilespmem:$0x18100] =	vst v63  }
0x2f: {  	_ =	swait.ge [sflag:s11], $0x100  }
0x30: {  	[sflag:s11] =	ssyncset.done $0x0  }
0x31: {  	[sflag:s11] =	ssyncadd.s32 $0xFFFFFF00  }
0x32: {  	[tilespmem:s13], [sflag:$0x1] =	stream.indirect.gather [hbm4b:s4+s12], $0x80, s3, s12, $0xb8;
	[tilespmem:$0x18100] =	vst v63  }
0x33: {  	_ =	swait.ge [sflag:s14], $0x4000  }
0x34: {  	[sflag:s14] =	ssyncset.done $0x0  }
0x35: {  	[sflag:s14] =	ssyncadd.s32 $0xFFFFC000  }
0x36: {  	[spmem:s2] =	stream.indirect.scatter.add.f32 [tilespmem:s13], [sflag:$0x2], $0x80, s12, s12, $0xb8;
	[tilespmem:$0x18100] =	vst v63  }
0x37: {  	_ =	swait.ge [sflag:s11], $0x4000  }
0x38: {  	s15 =	sadd.s32 $0x1, s15;
	[sflag:s11] =	ssyncset.done $0x0  }
0x39: {  	p0 =	sne.s32 s15, s8;
	[sflag:s11] =	ssyncadd.s32 $0xFFFFC000  }
.Ltmp1:
0x3a: {  	[bflag:$0x0] =	sbarrier.arrive $0xFFFF;
	(pc) =	sbr.rel @p0 .LBB2_1-.Ltmp1, $4  }
0x3b: {  	[hbm:s7], [sflag:s6] =	dma.local [spmem:s10], $0x2800  }
0x3c: {  	_ =	swait.ge [sflag:s11], $0x2800  }
0x3d: {  	[sflag:s11] =	ssyncset.done $0x0  }
0x3e: {  	[sflag:s11] =	ssyncadd.s32 $0xFFFFD800  }
0x3f: {  	_ =	sfence.sel $0x180000  }
0x40: {  	[bflag:$0x0] =	sbarrier.arrive $0xFFFF  }
0x41: {  	p0 =	sne.s32 s1, $0x0;
	_ =	strace $0x9000004A  }
0x42: {  	s0 =	sadd.s32 @!p0 $0x100000, s0;
	[bflag:$0x2] =	sbarrier.arrive $0xFFFF  }
0x43: {  	[sflag:s0] =	ssyncadd.tile.s32 @!p0 $0x1;
	_ =	shalt  }
.Lfunc_end2:
_tile_overlayer_lowered:
.L_overlay_start_2:
0x44: {  	(tag) =	ssettag $0x2  }
0x45: {  	s0 =	rddreg [dreg:$0x0];
	s2 =	stileid.u32  }
0x46: {  	s1 =	rddreg [dreg:$0x1];
	p0 =	sne.s32 s2, $0x0  }
0x47: {  	s3 =	rddreg [dreg:$0x2];
	[bflag:$0x3] =	sbarrier.arrive $0xFFFF;
	s2 =	simm.s32 @!p0 $0x1C02  }
0x48: {  	[timem:s3], [sflag:s2] =	dma.local @!p0 [hbm:s0], s1  }
0x49: {  	s0 =	simm.s32 @!p0 $0x2  }
0x4a: {  	_ =	swait.ge @!p0 [sflag:s0], s1  }
0x4b: {  	s1 =	ssub.s32 @!p0 $0x0, s1;
	[sflag:s0] =	ssyncset.done @!p0 $0x0  }
0x4c: {  	[sflag:s0] =	ssyncadd.s32 @!p0 s1  }
0x4d: {  	[bflag:$0x3] =	sbarrier.arrive $0xFFFF  }
0x4e: {  	_ =	shalt  }

// kernel: kernel.7.cloned.1.call-start
scs
__scs_entry_jumppad:
0x0: {  	(pc) =	sbr.rel $0x88, $3  }
0x1: {  	(tag) =	ssettag $0x0;
	lr =	simm.s32 $0x1  }
0x2: {  	[smem:$0x3F99] =	sst lr;
	_ =	strace $0xD0000000  }
0x3: {  	_ = 	snop  }
0x4: {  	_ = 	snop  }
0x5: {  	_ = 	snop  }
0x6: {  	_ = 	snop  }
0x7: {  	_ = 	snop  }
__scs_overlays_trampoline_lowered:
0x8: {  	[smem:$0x3FA8] =	sst s0  }
0x9: {  	[smem:$0x3FA9] =	sst s1  }
0xa: {  	[smem:$0x3FAA] =	sst s2  }
0xb: {  	[smem:$0x3FAB] =	sst s3  }
0xc: {  	[smem:$0x3FAC] =	sst s4  }
0xd: {  	[smem:$0x3FAD] =	sst s5  }
0xe: {  	[smem:$0x3FAE] =	sst s6  }
0xf: {  	[smem:$0x3FAF] =	sst s7  }
0x10: {  	[smem:$0x3FB0] =	sst s8  }
0x11: {  	[smem:$0x3FB1] =	sst s9;
	s0 =	simm.s32 @!p0 $0x0  }
0x12: {  	s1 =	sld [smem:$0x3F97];
	s0 =	simm.s32 @p0 $0x1  }
0x13: {  	[smem:$0x3FB2] =	sst s0;
	s0 =	simm.s32 @!p1 $0x0  }
0x14: {  	s2 =	sld [smem:$0x3F96];
	s0 =	simm.s32 @p1 $0x1  }
0x15: {  	[smem:$0x3FB3] =	sst s0;
	s0 =	simm.s32 @!p2 $0x0  }
0x16: {  	s3 =	sld [smem:$0x3FDB];
	s0 =	simm.s32 @p2 $0x1  }
0x17: {  	s4 =	simm.s32 $0x1BF5;
	[smem:$0x3FB5] =	sst s0  }
0x18: {  	s0 =	sld [smem:$0x3F98];
	_ =	swait.ge [sflag:s4], $0x0  }
0x19: {  	s7 =	sld [smem:$0x3F99]  }
0x1a: {  	s8 =	sadd.s32 $0xFFFFE003, lr  }
0x1b: {  	s9 =	sadd.s32 $0xFFFFFEF7, lr;
	s5 =	simm.s32 $0xFFFFFFFF;
	p2 =	slt.u32 s8, $0xFFFFF086  }
0x1c: {  	p1 =	slt.u32 s9, $0xF7A;
	s5 =	simm.s32 @!p2 $0x0  }
0x1d: {  	s5 =	simm.s32 @p1 $0x1;
	p0 =	seq.s32 s7, s2  }
0x1e: {  	s7 =	smul.u32 @!p0 $0xF7A, s2;
	p2 =	seq.s32 @!p0 s5, $0x0  }
0x1f: {  	s9 =	smul.u32 $0xF7A, s1;
	s8 =	simm.s32 @!p0 $0x1BF5;
	p2 =	por !p2, p0  }
0x20: {  	[sflag:s8] =	ssyncset.s32 @!p0 $0xFFFFF086;
	s6 =	sadd.s32 @!p0 s3, s7;
	s7 =	simm.s32 @!p0 $0x108  }
0x21: {  	s3 =	sadd.s32 s3, s9;
	s6 =	sadd.s32 @!p0 $0x88, s6;
	s7 =	simm.s32 @p2 $0x1082  }
0x22: {  	[simem:s7], [sflag:s8] =	dma.local @!p0 [hbm:s6], $0xF7A  }
0x23: {  	s9 =	sor.u32 $0xD0000000, s2;
	s6 =	simm.s32 $0x108;
	_ =	swait.ge @!p0 [sflag:s8], $0x0  }
0x24: {  	s3 =	sadd.s32 $0x88, s3;
	s6 =	simm.s32 @!p1 $0x1082;
	[sflag:s4] =	ssyncset.s32 $0xFFFFF086  }
0x25: {  	[simem:s6], [sflag:s4] =	dma.local [hbm:s3], $0xF7A  }
0x26: {  	[smem:$0x3F99] =	sst s1;
	(tag) =	ssettag s2;
	_ =	strace s9  }
0x27: {  	s1 =	sld [smem:$0x3FA9]  }
0x28: {  	s2 =	sld [smem:$0x3FAA]  }
0x29: {  	s4 =	sld [smem:$0x3FAC]  }
0x2a: {  	p0 =	seq.s32 s5, $0x0;
	s5 =	sld [smem:$0x3FAD]  }
0x2b: {  	s6 =	sld [smem:$0x3FAE]  }
0x2c: {  	s7 =	sld [smem:$0x3FAF]  }
0x2d: {  	s3 =	simm.s32 $0x108;
	s8 =	sld [smem:$0x3FB0]  }
0x2e: {  	s3 =	simm.s32 @!p0 $0x1082;
	s9 =	sld [smem:$0x3FB1]  }
0x2f: {  	lr =	sadd.s32 s0, s3;
	s0 =	sld [smem:$0x3FA8]  }
0x30: {  	s3 =	sld [smem:$0x3FAB]  }
0x31: {  	[smem:$0x3FB4] =	sst s10  }
0x32: {  	s10 =	sld [smem:$0x3FB2];
	_ =	sdelay $0x3  }
0x33: {  	p0 =	seq.s32 s10, $0x1;
	s10 =	sld [smem:$0x3FB4];
	_ =	sdelay $0x3  }
0x34: {  	[smem:$0x3FB4] =	sst s10  }
0x35: {  	s10 =	sld [smem:$0x3FB3];
	_ =	sdelay $0x3  }
0x36: {  	p1 =	seq.s32 s10, $0x1;
	s10 =	sld [smem:$0x3FB4];
	_ =	sdelay $0x3  }
0x37: {  	[smem:$0x3FB4] =	sst s10  }
0x38: {  	s10 =	sld [smem:$0x3FB5]  }
0x39: {  	_ = 	snop;
	(pc) =	sbr.ind lr, $3  }
0x3a: {  	_ = 	snop  }
0x3b: {  	_ = 	snop  }
0x3c: {  	p2 =	seq.s32 s10, $0x1;
	s10 =	sld [smem:$0x3FB4]  }
0x3d: {  	_ =	shalt  }
0x3e: {  	_ =	shalt  }
0x3f: {  	_ =	shalt  }
0x40: {  	_ =	shalt  }
0x41: {  	_ =	shalt  }
0x42: {  	_ =	shalt  }
0x43: {  	_ =	shalt  }
0x44: {  	_ =	shalt  }
0x45: {  	_ =	shalt  }
0x46: {  	_ =	shalt  }
0x47: {  	_ =	shalt  }
0x48: {  	_ =	shalt  }
0x49: {  	_ =	shalt  }
0x4a: {  	_ =	shalt  }
0x4b: {  	_ =	shalt  }
0x4c: {  	_ =	shalt  }
0x4d: {  	_ =	shalt  }
0x4e: {  	_ =	shalt  }
0x4f: {  	_ =	shalt  }
0x50: {  	_ =	shalt  }
0x51: {  	_ =	shalt  }
0x52: {  	_ =	shalt  }
0x53: {  	_ =	shalt  }
0x54: {  	_ =	shalt  }
0x55: {  	_ =	shalt  }
0x56: {  	_ =	shalt  }
0x57: {  	_ =	shalt  }
0x58: {  	_ =	shalt  }
0x59: {  	_ =	shalt  }
0x5a: {  	_ =	shalt  }
0x5b: {  	_ =	shalt  }
0x5c: {  	_ =	shalt  }
0x5d: {  	_ =	shalt  }
0x5e: {  	_ =	shalt  }
0x5f: {  	_ =	shalt  }
0x60: {  	_ =	shalt  }
0x61: {  	_ =	shalt  }
0x62: {  	_ =	shalt  }
0x63: {  	_ =	shalt  }
0x64: {  	_ =	shalt  }
0x65: {  	_ =	shalt  }
0x66: {  	_ =	shalt  }
0x67: {  	_ =	shalt  }
0x68: {  	_ =	shalt  }
0x69: {  	_ =	shalt  }
0x6a: {  	_ =	shalt  }
0x6b: {  	_ =	shalt  }
0x6c: {  	_ =	shalt  }
0x6d: {  	_ =	shalt  }
0x6e: {  	_ =	shalt  }
0x6f: {  	_ =	shalt  }
0x70: {  	_ =	shalt  }
0x71: {  	_ =	shalt  }
0x72: {  	_ =	shalt  }
0x73: {  	_ =	shalt  }
0x74: {  	_ =	shalt  }
0x75: {  	_ =	shalt  }
0x76: {  	_ =	shalt  }
0x77: {  	_ =	shalt  }
0x78: {  	_ =	shalt  }
0x79: {  	_ =	shalt  }
0x7a: {  	_ =	shalt  }
0x7b: {  	_ =	shalt  }
0x7c: {  	_ =	shalt  }
0x7d: {  	_ =	shalt  }
0x7e: {  	_ =	shalt  }
0x7f: {  	_ =	shalt  }
0x80: {  	_ =	shalt  }
0x81: {  	_ =	shalt  }
0x82: {  	_ =	shalt  }
0x83: {  	_ =	shalt  }
0x84: {  	_ =	shalt  }
0x85: {  	_ =	shalt  }
0x86: {  	_ =	shalt  }
0x87: {  	_ =	shalt  }
.Lfunc_end0:
.L_simem_size_0:
called_computation_lowered:
.L_overlay_start_0:
0x88: {  	s2 =	sld [smem:$0x3FD9]  }
0x89: {  	s3 =	sld [smem:$0x3FFE];
	_ =	sdelay $0x1  }
0x8a: {  	s1 =	srdreg.scid  }
0x8b: {  	s0 =	sand.u32 $0x1, s1  }
0x8c: {  	s17 =	sshll.u32 s0, $0xA;
	s2 =	sadd.s32 s3, s2  }
0x8d: {  	s2 =	sadd.s32 s2, s17  }
0x8e: {  	[smem:$0x3FC0] =	sst s2  }
0x8f: {  	_ = 	snop  }
0x90: {  	s2 =	sld [smem:$0x3FC9]  }
0x91: {  	s18 =	sld [smem:$0x3FD0];
	(tm) =	ssettm $0x1  }
0x92: {  	s4 =	sld [smem:$0x3FFB];
	_ =	sdelay $0x3  }
0x93: {  	_ =	strace s4  }
0x94: {  	s4 =	sld [smem:$0x3FFC];
	_ =	sdelay $0x3  }
0x95: {  	_ =	strace s4  }
0x96: {  	s4 =	sld [smem:$0x3FFD];
	_ =	sdelay $0x3  }
0x97: {  	_ =	strace s4  }
0x98: {  	_ =	strace $0x8FFFFFFF  }
0x99: {  	s19 =	sld [smem:$0x3FDB];
	_ =	sdelay $0x1  }
0x9a: {  	s5 =	simm.s32 $_scs_section_size  }
0x9b: {  	s6 =	simm.s32 $_size__tile_overlayer_lowered;
	s7 =	simm.s32 $_tile_overlayer_lowered  }
0x9c: {  	s22 =	simm.s32 $0x1BFF;
	s21 =	sshll.u32 s7, $0x1;
	s4 =	sadd.s32 s5, s19  }
0x9d: {  	s8 =	simm.s32 $0x0;
	s20 =	sshll.u32 s6, $0x1;
	s6 =	sadd.s32 s21, s4  }
0x9e: {  	[timem:s8], [sflag:s22] =	dma.local [hbm:s6], s20  }
0x9f: {  	_ =	swait.ge [sflag:s22], s20  }
0xa0: {  	s5 =	ssub.s32 $0x0, s20;
	[sflag:s22] =	ssyncset.done $0x0  }
0xa1: {  	[sflag:s22] =	ssyncadd.s32 s5;
	_ =	sdelay $0x1  }
0xa2: {  	s23 =	simm.s32 $0x1B8B  }
0xa3: {  	_ =	swait.ge [sflag:s23], $0x1  }
0xa4: {  	[sflag:s23] =	ssyncset.done $0x0  }
0xa5: {  	s25 =	simm.s32 $0x1B8E;
	s24 =	sld [smem:$0x3FFE];
	[sflag:s23] =	ssyncadd.s32 $0xFFFFFFFF  }
0xa6: {  	s26 =	simm.s32 $execute0_lowered;
	[smem:$0x3FD2] =	sst s25  }
0xa7: {  	s6 =	sshll.u32 s26, $0x1;
	_ =	strace $0x80000046;
	[dreg:$0x1] =	wrdreg $0xFFFFFFFF  }
0xa8: {  	s28 =	simm.s32 $_size_execute0_lowered;
	s4 =	sadd.s32 s4, s6;
	[dreg:$0x0] =	wrdreg $0x0  }
0xa9: {  	s6 =	sshll.u32 s28, $0x1;
	[dreg:$0x2] =	wrdreg s4  }
0xaa: {  	[dreg:$0x3] =	wrdreg s6  }
0xab: {  	[dreg:$0x4] =	wrdreg $0xC0  }
0xac: {  	_ =	task [dreg:s8], $0x5FFFF  }
0xad: {  	[dreg:$0x1] =	wrdreg $0xFFFFFFFF  }
0xae: {  	[dreg:$0x0] =	wrdreg $0x60  }
0xaf: {  	[dreg:$0x2] =	wrdreg s2  }
0xb0: {  	[dreg:$0x3] =	wrdreg s18  }
0xb1: {  	[dreg:$0x4] =	wrdreg s24  }
0xb2: {  	[dreg:$0x5] =	wrdreg $0x41000  }
0xb3: {  	[dreg:$0x6] =	wrdreg $0x1A9000  }
0xb4: {  	[dreg:$0x7] =	wrdreg $0x9  }
0xb5: {  	_ =	task.clear_ibuf [dreg:s8], $0x8FFFF;
	_ =	strace $0x90000046  }
0xb6: {  	s29 =	simm.s32 $0x9;
	_ =	strace $0x80000048  }
0xb7: {  	_ =	swait.ge [sflag:s29], $0x1  }
0xb8: {  	[sflag:s29] =	ssyncadd.s32 $0xFFFFFFFF  }
0xb9: {  	_ =	strace $0x90000048  }
0xba: {  	_ =	sfence  }
0xbb: {  	s30 =	sld [smem:$0x0];
	_ =	sdelay $0x2  }
0xbc: {  	s31 =	sshll.u32 s1, $0xD;
	s1 =	sshrl.u32 s1, $0x2  }
0xbd: {  	s3 =	sand.u32 $0x4000, s31;
	s1 =	sadd.s32 s1, s30  }
0xbe: {  	s0 =	sor.u32 s3, s0;
	s1 =	sshll.u32 s1, $0x11  }
0xbf: {  	s0 =	sor.u32 s1, s0  }
0xc0: {  	s0 =	sadd.s32 $0x8F2B, s0  }
0xc1: {  	[sflag:s0] =	ssyncadd.remote.s32 $0x1  }
0xc2: {  	_ =	sfence.sel $0xFFFF  }
0xc3: {  	[dreg:$0x0] =	wrdreg $0xFFFFFFFF;
	(pc) =	sbr.abs _section_cstart, $3  }
0xc4: {  	[dreg:$0x1] =	wrdreg $0xFFFFFFFF  }
0xc5: {  	_ =	task.clear_ibuf [dreg:s8], $0x2FFFF;
	_ =	strace $0x9FFFFFFF  }
0xc6: {  	(tm) =	ssettm $0x7FFFFFFF  }
0xc7: {  	_ =	shalt  }
tec
execute0_lowered:
.L_overlay_start_1:
0x0: {  	(tag) =	ssettag $0x1  }
0x1: {  	s1 =	rddreg [dreg:$0x0]  }
0x2: {  	s14 =	rddreg [dreg:$0x1]  }
0x3: {  	s8 =	rddreg [dreg:$0x2]  }
0x4: {  	s3 =	rddreg [dreg:$0x3]  }
0x5: {  	s4 =	rddreg [dreg:$0x4]  }
0x6: {  	s0 =	rddreg [dreg:$0x5]  }
0x7: {  	s2 =	stileid.u32;
	s5 =	simm.s32 $0x0;
	s6 =	srdreg.scid  }
0x8: {  	s20 =	simm.s32 $0x80;
	s9 =	smul.u32 $0x14000, s2;
	[smem:$0x7FF] =	sst s5  }
0x9: {  	s10 =	sand.u32 $0x1, s6;
	s6 =	sadd.s32 $0x2A800, s8;
	s15 =	smul.u32 $0x50000, s2  }
0xa: {  	s7 =	sadd.s32 $0x2600, s8;
	s22 =	sshll.u32 s2, $0xA;
	s29 =	smul.u32 $0x4F00, s2  }
0xb: {  	s28 =	sshll.u32 s2, $0x6;
	s30 =	sshll.u32 s2, $0x7;
	s11 =	smul.u32 $0x140000, s10  }
0xc: {  	p0 =	sgt.u32 s2, $0x9;
	_ =	strace $0x80000047;
	s13 =	smul.u32 $0x2800, s10  }
0xd: {  	s24 =	ssub.s32 $0x2, s10;
	s18 =	smul.u32 $0x4F000, s10;
	s19 =	sadd.s32 s22, s4  }
0xe: {  	s10 =	sadd.s32 s6, s30;
	s21 =	sshrl.u32 s9, $0x3;
	s25 =	sshrl.u32 s24, $0x1  }
0xf: {  	s26 =	sshrl.u32 s15, $0x2;
	s12 =	sadd.s32 s21, s8;
	s9 =	sadd.s32 s9, s11  }
0x10: {  	s13 =	sadd.s32 s22, s13;
	s15 =	sadd.s32 s26, s3;
	s31 =	sadd.s32 s29, s18  }
0x11: {  	s18 =	simm.s32 $0x18100;
	s21 =	simm.s32 $0x100;
	s22 =	simm.s32 $0x1  }
0x12: {  	s9 =	sshrl.u32 s9, $0x3;
	s23 =	sshrl.u32 s13, $0x3;
	s13 =	ssub.s32 s24, s25  }
0x13: {  	s15 =	sshrl.u32 s15, $0x3;
	s24 =	simm.s32 $0x0;
	s16 =	sadd.s32 s9, s8  }
0x14: {  	s17 =	sadd.s32 s23, s8;
	s8 =	sadd.s32 $0x2800, s12;
	s9 =	sor.u32 $0x1C02, s28  }
0x15: {  	s13 =	smax.u32 s13, $0x1;
	s23 =	simm.s32 $0x50;
	s11 =	sadd.s32 $0x2B800, s16  }
0x16: {  	s12 =	sadd.s32 $0x2AE00, s17;
	s16 =	sshrl.u32 s31, $0x3;
	s17 =	sshrl.u32 @!p0 s19, $0x3  }
0x17: {  	v0 =	vimm.f32 $1.000000000e+00;
	s19 =	simm.s32 $0x1AB80;
	s14 =	sadd.s32 s16, s14;
	s16 =	simm.s32 $0x2  }
.LBB2_1:
0x18: {  	[spmem:s15], [sflag:s9] =	dma.local [hbm:s8], $0x2800  }
0x19: {  	_ =	swait.ge [sflag:s16], $0x2800  }
0x1a: {  	[sflag:s16] =	ssyncset.done $0x0  }
0x1b: {  	s25 =	simm.s32 @!p0 $0x2;
	[sflag:s16] =	ssyncadd.s32 $0xFFFFD800  }
0x1c: {  	[spmem:s17], [sflag:s9] =	dma.local @!p0 [hbm:s10], $0x80  }
0x1d: {  	_ =	swait.ge @!p0 [sflag:s25], $0x80  }
0x1e: {  	[sflag:s25] =	ssyncset.done @!p0 $0x0  }
0x1f: {  	[sflag:s25] =	ssyncadd.s32 @!p0 $0xFFFFFF80  }
0x20: {  	[tilespmem:s18], [sflag:$0x2] =	stream.linear.gather [hbm4b:s6+s5], $0x2800, $0x38;
	[tilespmem:$0x1AC00] =	vst v63  }
0x21: {  	_ =	swait.ge [sflag:s16], $0x2800  }
0x22: {  	[sflag:s16] =	ssyncset.done $0x0  }
0x23: {  	[sflag:s16] =	ssyncadd.s32 $0xFFFFD800  }
0x24: {  	[tilespmem:s19], [sflag:$0x2] =	stream.linear.gather [hbm4b:s7+s5], $0x80, $0x38;
	[tilespmem:$0x1AC00] =	vst v63  }
0x25: {  	_ =	swait.ge [sflag:s16], $0x80  }
0x26: {  	[sflag:s16] =	ssyncset.done $0x0  }
0x27: {  	[sflag:s16] =	ssyncadd.s32 $0xFFFFFF80  }
0x28: {  	s25 =	simm.s32 $0x0;
	[bflag:$0x0] =	sbarrier.arrive $0xFFFF  }
.LBB2_2:
0x29: {  	s26 =	sadd.s32 s25, s14  }
0x2a: {  	[tilespmem:s5], [sflag:$0x2] =	stream.linear.gather [hbm4b:s26+s5], $0x100, $0x38;
	[tilespmem:$0x1AC00] =	vst v63  }
0x2b: {  	_ =	swait.ge [sflag:s16], $0x100  }
0x2c: {  	[sflag:s16] =	ssyncset.done $0x0  }
0x2d: {  	[sflag:s16] =	ssyncadd.s32 $0xFFFFFF00  }
0x2e: {  	[tilespmem:s21], [sflag:$0x1] =	stream.indirect.gather [hbm4b:s1+s20], $0x80, s5, s20, $0xb8;
	[tilespmem:$0x1AC00] =	vst v63  }
0x2f: {  	v1 =	vld [tilespmem:$0x80];
	_ =	sdelay $0x7  }
0x30: {  	[tilespmem:v1+s18+$0x0] =	vst.idx.add.f32.msk $0xffff, v0  }
0x31: {  	v1 =	vld [tilespmem:$0x90];
	_ =	sdelay $0x7  }
0x32: {  	[tilespmem:v1+s18+$0x0] =	vst.idx.add.f32.msk $0xffff, v0  }
0x33: {  	v1 =	vld [tilespmem:$0xA0];
	_ =	sdelay $0x7  }
0x34: {  	[tilespmem:v1+s18+$0x0] =	vst.idx.add.f32.msk $0xffff, v0  }
0x35: {  	v1 =	vld [tilespmem:$0xB0];
	_ =	sdelay $0x7  }
0x36: {  	[tilespmem:v1+s18+$0x0] =	vst.idx.add.f32.msk $0xffff, v0  }
0x37: {  	v1 =	vld [tilespmem:$0xC0];
	_ =	sdelay $0x7  }
0x38: {  	[tilespmem:v1+s18+$0x0] =	vst.idx.add.f32.msk $0xffff, v0  }
0x39: {  	v1 =	vld [tilespmem:$0xD0];
	_ =	sdelay $0x7  }
0x3a: {  	[tilespmem:v1+s18+$0x0] =	vst.idx.add.f32.msk $0xffff, v0  }
0x3b: {  	v1 =	vld [tilespmem:$0xE0];
	_ =	sdelay $0x7  }
0x3c: {  	[tilespmem:v1+s18+$0x0] =	vst.idx.add.f32.msk $0xffff, v0  }
0x3d: {  	v1 =	vld [tilespmem:$0xF0];
	_ =	sdelay $0x7  }
0x3e: {  	[tilespmem:v1+s18+$0x0] =	vst.idx.add.f32.msk $0xffff, v0  }
0x3f: {  	_ =	swait.ge [sflag:s22], $0x4000  }
0x40: {  	p1 =	sne.s32 s25, $0x9C0;
	[sflag:s22] =	ssyncset.done $0x0  }
.Ltmp0:
0x41: {  	[sflag:s22] =	ssyncadd.s32 $0xFFFFC000;
	(pc) =	sbr.rel @p1 .LBB2_2-.Ltmp0, $4  }
0x42: {  	[spmem:s3] =	stream.indirect.scatter.add.f32 [tilespmem:s21], [sflag:$0x2], $0x80, s20, s20, $0xb8;
	[tilespmem:$0x1AC00] =	vst v63  }
0x43: {  	_ =	swait.ge [sflag:s16], $0x4000  }
0x44: {  	[sflag:s16] =	ssyncset.done $0x0  }
0x45: {  	s25 =	sadd.s32 $0x20, s25;
	[sflag:s16] =	ssyncadd.s32 $0xFFFFC000  }
0x46: {  	[spmem:s4] =	stream.indirect.scatter.add.f32 [tilespmem:s18], [sflag:$0x2], $0x80, s19, s23, $0xb8;
	[tilespmem:$0x1AC00] =	vst v63  }
0x47: {  	_ =	swait.ge [sflag:s16], $0x2800  }
0x48: {  	[sflag:s16] =	ssyncset.done $0x0  }
0x49: {  	[sflag:s16] =	ssyncadd.s32 $0xFFFFD800  }
0x4a: {  	[bflag:$0x0] =	sbarrier.arrive $0xFFFF  }
0x4b: {  	[hbm:s11], [sflag:s9] =	dma.local [spmem:s15], $0x2800  }
0x4c: {  	s24 =	sadd.s32 $0x1, s24;
	_ =	swait.ge [sflag:s16], $0x2800  }
0x4d: {  	p1 =	sne.s32 s24, s13;
	[sflag:s16] =	ssyncset.done $0x0  }
.Ltmp1:
0x4e: {  	s25 =	simm.s32 @!p0 $0x2;
	[sflag:s16] =	ssyncadd.s32 $0xFFFFD800;
	(pc) =	sbr.rel @p1 .LBB2_1-.Ltmp1, $4  }
0x4f: {  	[hbm:s12], [sflag:s9] =	dma.local @!p0 [spmem:s17], $0x80  }
0x50: {  	_ =	swait.ge @!p0 [sflag:s25], $0x80  }
0x51: {  	[sflag:s25] =	ssyncset.done @!p0 $0x0  }
0x52: {  	[sflag:s25] =	ssyncadd.s32 @!p0 $0xFFFFFF80  }
0x53: {  	_ =	sfence.sel $0x180000  }
0x54: {  	[bflag:$0x0] =	sbarrier.arrive $0xFFFF  }
0x55: {  	p0 =	sne.s32 s2, $0x0;
	_ =	strace $0x90000047  }
0x56: {  	s0 =	sadd.s32 @!p0 $0x100000, s0;
	[bflag:$0x2] =	sbarrier.arrive $0xFFFF  }
0x57: {  	[sflag:s0] =	ssyncadd.tile.s32 @!p0 $0x1;
	_ =	shalt  }
.Lfunc_end2:
_tile_overlayer_lowered:
.L_overlay_start_2:
0x58: {  	(tag) =	ssettag $0x2  }
0x59: {  	s0 =	rddreg [dreg:$0x0];
	s2 =	stileid.u32  }
0x5a: {  	s1 =	rddreg [dreg:$0x1];
	p0 =	sne.s32 s2, $0x0  }
0x5b: {  	s3 =	rddreg [dreg:$0x2];
	[bflag:$0x3] =	sbarrier.arrive $0xFFFF;
	s2 =	simm.s32 @!p0 $0x1C02  }
0x5c: {  	[timem:s3], [sflag:s2] =	dma.local @!p0 [hbm:s0], s1  }
0x5d: {  	s0 =	simm.s32 @!p0 $0x2  }
0x5e: {  	_ =	swait.ge @!p0 [sflag:s0], s1  }
0x5f: {  	s1 =	ssub.s32 @!p0 $0x0, s1;
	[sflag:s0] =	ssyncset.done @!p0 $0x0  }
0x60: {  	[sflag:s0] =	ssyncadd.s32 @!p0 s1  }
0x61: {  	[bflag:$0x3] =	sbarrier.arrive $0xFFFF  }
0x62: {  	_ =	shalt  }

</sc_bundles>
